<compile_context>
chip_gen: v7x
topology: tpu7x:2x2x1
jax: 0.10.2.dev20260603
libtpu: 0.0.44.dev20260713+nightly
codegen_flags: <defaults>
</compile_context>

<pallas_src>
import functools

import jax
import jax.numpy as jnp
import numpy as np
from jax import lax
from jax.experimental import pallas as pl
from jax.experimental.pallas import tpu as pltpu
from jax.experimental.pallas import tpu_sc as plsc


def _pos_encoding_np(seq_len: int, d_model: int) -> np.ndarray:
    pos = np.arange(seq_len)[:, np.newaxis]
    i = np.arange(d_model)[np.newaxis, :]
    angle_rates = 1 / np.power(10000, 2 * (i // 2) / np.float32(d_model))
    angle_rads = pos * angle_rates
    angle_rads[:, 0::2] = np.sin(angle_rads[:, 0::2])
    angle_rads[:, 1::2] = np.cos(angle_rads[:, 1::2])
    return angle_rads.astype(np.float32)


@jax.jit
def _embed(x, token_table, pos_tiled):
    B, S = x.shape
    V, D = token_table.shape

    info = plsc.get_sparse_core_info()
    NC, NS = info.num_cores, info.num_subcores
    NW = NC * NS

    rows_total = B * S
    rows_per_w = rows_total // NW
    assert rows_per_w * NW == rows_total
    G = S // 2
    SEQ_PER_CHUNK = 8
    CH = SEQ_PER_CHUNK * S
    GPC = CH // G
    n_chunks = rows_per_w // CH
    assert n_chunks * CH == rows_per_w
    assert pos_tiled.shape == (CH, D)

    idx = x.reshape(NW, rows_per_w // G, G)

    mesh = plsc.VectorSubcoreMesh(core_axis_name="c", subcore_axis_name="s")

    @functools.partial(
        pl.kernel,
        mesh=mesh,
        out_type=jax.ShapeDtypeStruct((rows_total, D), jnp.float32),
        scratch_types=[
            pltpu.VMEM((rows_per_w // G, G), jnp.int32),
            pltpu.VMEM_SHARED((CH, D), jnp.float32),
            pltpu.VMEM((CH, D), jnp.float32),
            pltpu.SemaphoreType.DMA,
        ],
        compiler_params=pltpu.CompilerParams(use_tc_tiling_on_sc=False),
    )
    def k(table_hbm, idx_hbm, pos_hbm, out_hbm, idx_v, pos_sh, buf, sem):
        sid = lax.axis_index("s")
        wid = lax.axis_index("c") * NS + sid
        base = wid * rows_per_w

        @pl.when(sid == 0)
        def _():
            pltpu.sync_copy(pos_hbm, pos_sh)
        pltpu.sync_copy(idx_hbm.at[wid], idx_v)
        plsc.subcore_barrier()

        def chunk(c, _):
            pltpu.sync_copy(pos_sh, buf)
            ds = []
            for j in range(GPC):
                ds.append(pltpu.async_copy(
                    table_hbm.at[idx_v.at[c * GPC + j]],
                    buf.at[pl.ds(j * G, G)], sem, add=True))
            for d in ds:
                d.wait()
            pltpu.sync_copy(buf, out_hbm.at[pl.ds(base + c * CH, CH)])
            return 0

        lax.fori_loop(0, n_chunks, chunk, 0)

    return k(token_table, idx, pos_tiled)


def kernel(x, token_table):
    B, S = x.shape
    D = token_table.shape[1]
    pos_enc = _pos_encoding_np(S, D)
    pos_tiled = jnp.asarray(np.tile(pos_enc, (8, 1)))
    out = _embed(x, token_table, pos_tiled)
    return out.reshape(B, S, D)

# --- scband reference (transcript-rebuilt; emitter-appended) ---
"""Pipeline reference for scband-token-and-position-embedding-79035988181043 (READ-ONLY COPY).

The authoritative reference and input builder live on the scoring server;
editing this copy changes nothing except your own understanding.
"""

import jax, jax.numpy as jnp
import numpy as np

VOCAB_SIZE = 1000000
EMBED_DIM = 64
BATCH = 1024
SEQ_LEN = 200
MAX_POS_ENCODING = 10000


def _positional_encoding(position, d_model):
    pos = np.arange(position)[:, np.newaxis]
    i = np.arange(d_model)[np.newaxis, :]
    angle_rates = 1 / np.power(10000, 2 * (i // 2) / np.float32(d_model))
    angle_rads = pos * angle_rates
    angle_rads[:, 0::2] = np.sin(angle_rads[:, 0::2])
    angle_rads[:, 1::2] = np.cos(angle_rads[:, 1::2])
    pos_encoding = angle_rads[np.newaxis, ...]
    return jnp.asarray(pos_encoding, dtype=jnp.float32)


def setup_inputs(seed: int = 0) -> dict:
    key = jax.random.key(seed)
    k1, k2 = jax.random.split(key)
    x = jax.random.randint(k1, (BATCH, SEQ_LEN), 0, VOCAB_SIZE, dtype=jnp.int32)
    # Learned token embedding table (Keras Embedding default: uniform init)
    token_table = jax.random.uniform(k2, (VOCAB_SIZE, EMBED_DIM), dtype=jnp.float32, minval=-0.05, maxval=0.05)
    return {"x": x, "token_table": token_table}


def reference(x, token_table):
    # Faithful translation of TokenAndPositionEmbedding.call:
    # - token embedding lookup (gather)
    # - add fixed sinusoidal positional encoding sliced to seq len
    # (note: self.pos_emb is constructed but unused in the original call)
    maxlen = x.shape[-1]
    pos_encoding = _positional_encoding(MAX_POS_ENCODING, EMBED_DIM)
    emb = jnp.take(token_table, x, axis=0)
    return emb + pos_encoding[:, :maxlen, :]

if __name__ == "__main__":
    import jax
    _d = setup_inputs()
    print(jax.jit(kernel)(*tuple(_d.values())))

</pallas_src>

<mosaic_0001>
#map = affine_map<(d0, d1) -> (0, 0)>
#map1 = affine_map<(d0, d1) -> (0, 0, 0)>
module attributes {stable_mosaic.version = 14 : i64} {
  func.func @k(%arg0: i32, %arg1: i32, %arg2: memref<1000000x64xf32, #tpu.memory_space<hbm>>, %arg3: memref<32x64x100xi32, #tpu.memory_space<hbm>>, %arg4: memref<1600x64xf32, #tpu.memory_space<hbm>>, %arg5: memref<204800x64xf32, #tpu.memory_space<hbm>>, %arg6: memref<64x100xi32, #tpu.memory_space<vmem>>, %arg7: memref<1600x64xf32, #tpu.memory_space<vmem_shared>>, %arg8: memref<1600x64xf32, #tpu.memory_space<vmem>>, %arg9: memref<!tpu.dma_semaphore, #tpu.memory_space<semaphore_mem>>) attributes {dimension_semantics = [#tpu.dimension_semantics<core_parallel>, #tpu.dimension_semantics<subcore_parallel>], iteration_bounds = array<i64: 2, 16>, scalar_prefetch = 0 : i64, scratch_operands = 4 : i64, tpu.core_type = #tpu.core_type<sc_vector_subcore>, window_params = [{transform_indices = #map}, {transform_indices = #map1}, {transform_indices = #map}, {transform_indices = #map}]} {
    %mul3A = arith.constant 16 : i32
    %mul3A_0 = arith.muli %arg0, %mul3A : i32
    %add3A = arith.addi %mul3A_0, %arg1 : i32
    %mul3A_1 = arith.constant 6400 : i32
    %mul3A_2 = arith.muli %add3A, %mul3A_1 : i32
    %eq3A = arith.constant 0 : i32
    %eq3A_3 = arith.cmpi eq, %arg1, %eq3A : i32
    %convert_element_type3A = arith.extui %eq3A_3 : i1 to i32
    %cond3A = arith.constant 0 : i32
    %cond3A_4 = arith.cmpi ne, %convert_element_type3A, %cond3A : i32
    scf.if %cond3A_4 {
      "tpu.region"() ({
        %run_scoped3A = tpu.sem_alloc : memref<!tpu.dma_semaphore, #tpu.memory_space<semaphore_mem>>
        tpu.enqueue_dma source(%arg4 : memref<1600x64xf32, #tpu.memory_space<hbm>>) target(%arg7 : memref<1600x64xf32, #tpu.memory_space<vmem_shared>>) target_semaphore(%run_scoped3A : memref<!tpu.dma_semaphore, #tpu.memory_space<semaphore_mem>>)
        tpu.wait_dma2 semaphore(%run_scoped3A : memref<!tpu.dma_semaphore, #tpu.memory_space<semaphore_mem>>) src(%arg4 : memref<1600x64xf32, #tpu.memory_space<hbm>>) dst(%arg7 : memref<1600x64xf32, #tpu.memory_space<vmem_shared>>)
        tpu.yield
      }) : () -> ()
    } else {
    }
    "tpu.region"() ({
      %run_scoped3A = tpu.sem_alloc : memref<!tpu.dma_semaphore, #tpu.memory_space<semaphore_mem>>
      %dma_start3A = arith.constant 0 : i32
      %dma_start3A_11 = arith.constant 0 : i32
      %dma_start3A_12 = tpu.memref_slice %arg3[%add3A, %dma_start3A, %dma_start3A_11] : memref<32x64x100xi32, #tpu.memory_space<hbm>> -> memref<1x64x100xi32, #tpu.memory_space<hbm>>
      %dma_start3A_13 = tpu.memref_squeeze %dma_start3A_12 : memref<1x64x100xi32, #tpu.memory_space<hbm>> -> memref<64x100xi32, #tpu.memory_space<hbm>>
      %dma_start3A_14 = arith.constant 0 : i32
      %dma_start3A_15 = arith.constant 0 : i32
      %dma_start3A_16 = tpu.memref_slice %arg3[%add3A, %dma_start3A_14, %dma_start3A_15] : memref<32x64x100xi32, #tpu.memory_space<hbm>> -> memref<1x64x100xi32, #tpu.memory_space<hbm>>
      %dma_start3A_17 = tpu.memref_squeeze %dma_start3A_16 : memref<1x64x100xi32, #tpu.memory_space<hbm>> -> memref<64x100xi32, #tpu.memory_space<hbm>>
      tpu.enqueue_dma source(%dma_start3A_17 : memref<64x100xi32, #tpu.memory_space<hbm>>) target(%arg6 : memref<64x100xi32, #tpu.memory_space<vmem>>) target_semaphore(%run_scoped3A : memref<!tpu.dma_semaphore, #tpu.memory_space<semaphore_mem>>)
      %dma_wait3A = arith.constant 0 : i32
      %dma_wait3A_18 = arith.constant 0 : i32
      %dma_wait3A_19 = tpu.memref_slice %arg3[%add3A, %dma_wait3A, %dma_wait3A_18] : memref<32x64x100xi32, #tpu.memory_space<hbm>> -> memref<1x64x100xi32, #tpu.memory_space<hbm>>
      %dma_wait3A_20 = tpu.memref_squeeze %dma_wait3A_19 : memref<1x64x100xi32, #tpu.memory_space<hbm>> -> memref<64x100xi32, #tpu.memory_space<hbm>>
      %dma_wait3A_21 = arith.constant 0 : i32
      %dma_wait3A_22 = arith.constant 0 : i32
      %dma_wait3A_23 = tpu.memref_slice %arg3[%add3A, %dma_wait3A_21, %dma_wait3A_22] : memref<32x64x100xi32, #tpu.memory_space<hbm>> -> memref<1x64x100xi32, #tpu.memory_space<hbm>>
      %dma_wait3A_24 = tpu.memref_squeeze %dma_wait3A_23 : memref<1x64x100xi32, #tpu.memory_space<hbm>> -> memref<64x100xi32, #tpu.memory_space<hbm>>
      tpu.wait_dma2 semaphore(%run_scoped3A : memref<!tpu.dma_semaphore, #tpu.memory_space<semaphore_mem>>) src(%dma_wait3A_24 : memref<64x100xi32, #tpu.memory_space<hbm>>) dst(%arg6 : memref<64x100xi32, #tpu.memory_space<vmem>>)
      tpu.yield
    }) : () -> ()
    %barrier3A = arith.constant 0 : index
    tpu.barrier barrier_id(%barrier3A)
    %scan3A = arith.constant 0 : i32
    %scan3A_5 = arith.constant 0 : i32
    %scan3A_6 = arith.constant 4 : i32
    %scan3A_7 = arith.addi %scan3A_5, %scan3A_6 : i32
    %scan3A_8 = arith.constant 1 : i32
    %scan3A_9 = scf.for %scan3A_11 = %scan3A_5 to %scan3A_7 step %scan3A_8 iter_args(%scan3A_12 = %scan3A) -> (i32)  : i32 {
      "tpu.region"() ({
        %run_scoped3A = tpu.sem_alloc : memref<!tpu.dma_semaphore, #tpu.memory_space<semaphore_mem>>
        tpu.enqueue_dma source(%arg7 : memref<1600x64xf32, #tpu.memory_space<vmem_shared>>) target(%arg8 : memref<1600x64xf32, #tpu.memory_space<vmem>>) target_semaphore(%run_scoped3A : memref<!tpu.dma_semaphore, #tpu.memory_space<semaphore_mem>>)
        tpu.wait_dma2 semaphore(%run_scoped3A : memref<!tpu.dma_semaphore, #tpu.memory_space<semaphore_mem>>) src(%arg7 : memref<1600x64xf32, #tpu.memory_space<vmem_shared>>) dst(%arg8 : memref<1600x64xf32, #tpu.memory_space<vmem>>)
        tpu.yield
      }) : () -> ()
      %mul3A_13 = arith.constant 16 : i32
      %mul3A_14 = arith.muli %scan3A_11, %mul3A_13 : i32
      %add3A_15 = arith.constant 0 : i32
      %add3A_16 = arith.addi %mul3A_14, %add3A_15 : i32
      %dma_start3A = arith.constant 0 : i32
      %dma_start3A_17 = arith.constant 0 : i32
      %dma_start3A_18 = tpu.memref_slice %arg8[%dma_start3A, %dma_start3A_17] : memref<1600x64xf32, #tpu.memory_space<vmem>> -> memref<100x64xf32, #tpu.memory_space<vmem>>
      %dma_start3A_19 = arith.constant 0 : i32
      %dma_start3A_20 = tpu.memref_slice %arg6[%add3A_16, %dma_start3A_19] : memref<64x100xi32, #tpu.memory_space<vmem>> -> memref<1x100xi32, #tpu.memory_space<vmem>>
      %dma_start3A_21 = tpu.memref_squeeze %dma_start3A_20 : memref<1x100xi32, #tpu.memory_space<vmem>> -> memref<100xi32, #tpu.memory_space<vmem>>
      %dma_start3A_22 = arith.constant 0 : i32
      %dma_start3A_23 = arith.constant 0 : i32
      %dma_start3A_24 = tpu.memref_slice %arg2[%dma_start3A_22, %dma_start3A_23] : memref<1000000x64xf32, #tpu.memory_space<hbm>> -> memref<1000000x64xf32, #tpu.memory_space<hbm>>
      tpu.enqueue_indirect_dma source(%dma_start3A_24 : memref<1000000x64xf32, #tpu.memory_space<hbm>>) target(%dma_start3A_18 : memref<100x64xf32, #tpu.memory_space<vmem>>) offsets(%dma_start3A_21 : memref<100xi32, #tpu.memory_space<vmem>>) semaphore(%arg9 : memref<!tpu.dma_semaphore, #tpu.memory_space<semaphore_mem>>) {add = true}
      %mul3A_25 = arith.constant 16 : i32
      %mul3A_26 = arith.muli %scan3A_11, %mul3A_25 : i32
      %add3A_27 = arith.constant 1 : i32
      %add3A_28 = arith.addi %mul3A_26, %add3A_27 : i32
      %dma_start3A_29 = arith.constant 100 : i32
      %dma_start3A_30 = arith.constant 0 : i32
      %dma_start3A_31 = tpu.memref_slice %arg8[%dma_start3A_29, %dma_start3A_30] : memref<1600x64xf32, #tpu.memory_space<vmem>> -> memref<100x64xf32, #tpu.memory_space<vmem>>
      %dma_start3A_32 = arith.constant 0 : i32
      %dma_start3A_33 = tpu.memref_slice %arg6[%add3A_28, %dma_start3A_32] : memref<64x100xi32, #tpu.memory_space<vmem>> -> memref<1x100xi32, #tpu.memory_space<vmem>>
      %dma_start3A_34 = tpu.memref_squeeze %dma_start3A_33 : memref<1x100xi32, #tpu.memory_space<vmem>> -> memref<100xi32, #tpu.memory_space<vmem>>
      %dma_start3A_35 = arith.constant 0 : i32
      %dma_start3A_36 = arith.constant 0 : i32
      %dma_start3A_37 = tpu.memref_slice %arg2[%dma_start3A_35, %dma_start3A_36] : memref<1000000x64xf32, #tpu.memory_space<hbm>> -> memref<1000000x64xf32, #tpu.memory_space<hbm>>
      tpu.enqueue_indirect_dma source(%dma_start3A_37 : memref<1000000x64xf32, #tpu.memory_space<hbm>>) target(%dma_start3A_31 : memref<100x64xf32, #tpu.memory_space<vmem>>) offsets(%dma_start3A_34 : memref<100xi32, #tpu.memory_space<vmem>>) semaphore(%arg9 : memref<!tpu.dma_semaphore, #tpu.memory_space<semaphore_mem>>) {add = true}
      %mul3A_38 = arith.constant 16 : i32
      %mul3A_39 = arith.muli %scan3A_11, %mul3A_38 : i32
      %add3A_40 = arith.constant 2 : i32
      %add3A_41 = arith.addi %mul3A_39, %add3A_40 : i32
      %dma_start3A_42 = arith.constant 200 : i32
      %dma_start3A_43 = arith.constant 0 : i32
      %dma_start3A_44 = tpu.memref_slice %arg8[%dma_start3A_42, %dma_start3A_43] : memref<1600x64xf32, #tpu.memory_space<vmem>> -> memref<100x64xf32, #tpu.memory_space<vmem>>
      %dma_start3A_45 = arith.constant 0 : i32
      %dma_start3A_46 = tpu.memref_slice %arg6[%add3A_41, %dma_start3A_45] : memref<64x100xi32, #tpu.memory_space<vmem>> -> memref<1x100xi32, #tpu.memory_space<vmem>>
      %dma_start3A_47 = tpu.memref_squeeze %dma_start3A_46 : memref<1x100xi32, #tpu.memory_space<vmem>> -> memref<100xi32, #tpu.memory_space<vmem>>
      %dma_start3A_48 = arith.constant 0 : i32
      %dma_start3A_49 = arith.constant 0 : i32
      %dma_start3A_50 = tpu.memref_slice %arg2[%dma_start3A_48, %dma_start3A_49] : memref<1000000x64xf32, #tpu.memory_space<hbm>> -> memref<1000000x64xf32, #tpu.memory_space<hbm>>
      tpu.enqueue_indirect_dma source(%dma_start3A_50 : memref<1000000x64xf32, #tpu.memory_space<hbm>>) target(%dma_start3A_44 : memref<100x64xf32, #tpu.memory_space<vmem>>) offsets(%dma_start3A_47 : memref<100xi32, #tpu.memory_space<vmem>>) semaphore(%arg9 : memref<!tpu.dma_semaphore, #tpu.memory_space<semaphore_mem>>) {add = true}
      %mul3A_51 = arith.constant 16 : i32
      %mul3A_52 = arith.muli %scan3A_11, %mul3A_51 : i32
      %add3A_53 = arith.constant 3 : i32
      %add3A_54 = arith.addi %mul3A_52, %add3A_53 : i32
      %dma_start3A_55 = arith.constant 300 : i32
      %dma_start3A_56 = arith.constant 0 : i32
      %dma_start3A_57 = tpu.memref_slice %arg8[%dma_start3A_55, %dma_start3A_56] : memref<1600x64xf32, #tpu.memory_space<vmem>> -> memref<100x64xf32, #tpu.memory_space<vmem>>
      %dma_start3A_58 = arith.constant 0 : i32
      %dma_start3A_59 = tpu.memref_slice %arg6[%add3A_54, %dma_start3A_58] : memref<64x100xi32, #tpu.memory_space<vmem>> -> memref<1x100xi32, #tpu.memory_space<vmem>>
      %dma_start3A_60 = tpu.memref_squeeze %dma_start3A_59 : memref<1x100xi32, #tpu.memory_space<vmem>> -> memref<100xi32, #tpu.memory_space<vmem>>
      %dma_start3A_61 = arith.constant 0 : i32
      %dma_start3A_62 = arith.constant 0 : i32
      %dma_start3A_63 = tpu.memref_slice %arg2[%dma_start3A_61, %dma_start3A_62] : memref<1000000x64xf32, #tpu.memory_space<hbm>> -> memref<1000000x64xf32, #tpu.memory_space<hbm>>
      tpu.enqueue_indirect_dma source(%dma_start3A_63 : memref<1000000x64xf32, #tpu.memory_space<hbm>>) target(%dma_start3A_57 : memref<100x64xf32, #tpu.memory_space<vmem>>) offsets(%dma_start3A_60 : memref<100xi32, #tpu.memory_space<vmem>>) semaphore(%arg9 : memref<!tpu.dma_semaphore, #tpu.memory_space<semaphore_mem>>) {add = true}
      %mul3A_64 = arith.constant 16 : i32
      %mul3A_65 = arith.muli %scan3A_11, %mul3A_64 : i32
      %add3A_66 = arith.constant 4 : i32
      %add3A_67 = arith.addi %mul3A_65, %add3A_66 : i32
      %dma_start3A_68 = arith.constant 400 : i32
      %dma_start3A_69 = arith.constant 0 : i32
      %dma_start3A_70 = tpu.memref_slice %arg8[%dma_start3A_68, %dma_start3A_69] : memref<1600x64xf32, #tpu.memory_space<vmem>> -> memref<100x64xf32, #tpu.memory_space<vmem>>
      %dma_start3A_71 = arith.constant 0 : i32
      %dma_start3A_72 = tpu.memref_slice %arg6[%add3A_67, %dma_start3A_71] : memref<64x100xi32, #tpu.memory_space<vmem>> -> memref<1x100xi32, #tpu.memory_space<vmem>>
      %dma_start3A_73 = tpu.memref_squeeze %dma_start3A_72 : memref<1x100xi32, #tpu.memory_space<vmem>> -> memref<100xi32, #tpu.memory_space<vmem>>
      %dma_start3A_74 = arith.constant 0 : i32
      %dma_start3A_75 = arith.constant 0 : i32
      %dma_start3A_76 = tpu.memref_slice %arg2[%dma_start3A_74, %dma_start3A_75] : memref<1000000x64xf32, #tpu.memory_space<hbm>> -> memref<1000000x64xf32, #tpu.memory_space<hbm>>
      tpu.enqueue_indirect_dma source(%dma_start3A_76 : memref<1000000x64xf32, #tpu.memory_space<hbm>>) target(%dma_start3A_70 : memref<100x64xf32, #tpu.memory_space<vmem>>) offsets(%dma_start3A_73 : memref<100xi32, #tpu.memory_space<vmem>>) semaphore(%arg9 : memref<!tpu.dma_semaphore, #tpu.memory_space<semaphore_mem>>) {add = true}
      %mul3A_77 = arith.constant 16 : i32
      %mul3A_78 = arith.muli %scan3A_11, %mul3A_77 : i32
      %add3A_79 = arith.constant 5 : i32
      %add3A_80 = arith.addi %mul3A_78, %add3A_79 : i32
      %dma_start3A_81 = arith.constant 500 : i32
      %dma_start3A_82 = arith.constant 0 : i32
      %dma_start3A_83 = tpu.memref_slice %arg8[%dma_start3A_81, %dma_start3A_82] : memref<1600x64xf32, #tpu.memory_space<vmem>> -> memref<100x64xf32, #tpu.memory_space<vmem>>
      %dma_start3A_84 = arith.constant 0 : i32
      %dma_start3A_85 = tpu.memref_slice %arg6[%add3A_80, %dma_start3A_84] : memref<64x100xi32, #tpu.memory_space<vmem>> -> memref<1x100xi32, #tpu.memory_space<vmem>>
      %dma_start3A_86 = tpu.memref_squeeze %dma_start3A_85 : memref<1x100xi32, #tpu.memory_space<vmem>> -> memref<100xi32, #tpu.memory_space<vmem>>
      %dma_start3A_87 = arith.constant 0 : i32
      %dma_start3A_88 = arith.constant 0 : i32
      %dma_start3A_89 = tpu.memref_slice %arg2[%dma_start3A_87, %dma_start3A_88] : memref<1000000x64xf32, #tpu.memory_space<hbm>> -> memref<1000000x64xf32, #tpu.memory_space<hbm>>
      tpu.enqueue_indirect_dma source(%dma_start3A_89 : memref<1000000x64xf32, #tpu.memory_space<hbm>>) target(%dma_start3A_83 : memref<100x64xf32, #tpu.memory_space<vmem>>) offsets(%dma_start3A_86 : memref<100xi32, #tpu.memory_space<vmem>>) semaphore(%arg9 : memref<!tpu.dma_semaphore, #tpu.memory_space<semaphore_mem>>) {add = true}
      %mul3A_90 = arith.constant 16 : i32
      %mul3A_91 = arith.muli %scan3A_11, %mul3A_90 : i32
      %add3A_92 = arith.constant 6 : i32
      %add3A_93 = arith.addi %mul3A_91, %add3A_92 : i32
      %dma_start3A_94 = arith.constant 600 : i32
      %dma_start3A_95 = arith.constant 0 : i32
      %dma_start3A_96 = tpu.memref_slice %arg8[%dma_start3A_94, %dma_start3A_95] : memref<1600x64xf32, #tpu.memory_space<vmem>> -> memref<100x64xf32, #tpu.memory_space<vmem>>
      %dma_start3A_97 = arith.constant 0 : i32
      %dma_start3A_98 = tpu.memref_slice %arg6[%add3A_93, %dma_start3A_97] : memref<64x100xi32, #tpu.memory_space<vmem>> -> memref<1x100xi32, #tpu.memory_space<vmem>>
      %dma_start3A_99 = tpu.memref_squeeze %dma_start3A_98 : memref<1x100xi32, #tpu.memory_space<vmem>> -> memref<100xi32, #tpu.memory_space<vmem>>
      %dma_start3A_100 = arith.constant 0 : i32
      %dma_start3A_101 = arith.constant 0 : i32
      %dma_start3A_102 = tpu.memref_slice %arg2[%dma_start3A_100, %dma_start3A_101] : memref<1000000x64xf32, #tpu.memory_space<hbm>> -> memref<1000000x64xf32, #tpu.memory_space<hbm>>
      tpu.enqueue_indirect_dma source(%dma_start3A_102 : memref<1000000x64xf32, #tpu.memory_space<hbm>>) target(%dma_start3A_96 : memref<100x64xf32, #tpu.memory_space<vmem>>) offsets(%dma_start3A_99 : memref<100xi32, #tpu.memory_space<vmem>>) semaphore(%arg9 : memref<!tpu.dma_semaphore, #tpu.memory_space<semaphore_mem>>) {add = true}
      %mul3A_103 = arith.constant 16 : i32
      %mul3A_104 = arith.muli %scan3A_11, %mul3A_103 : i32
      %add3A_105 = arith.constant 7 : i32
      %add3A_106 = arith.addi %mul3A_104, %add3A_105 : i32
      %dma_start3A_107 = arith.constant 700 : i32
      %dma_start3A_108 = arith.constant 0 : i32
      %dma_start3A_109 = tpu.memref_slice %arg8[%dma_start3A_107, %dma_start3A_108] : memref<1600x64xf32, #tpu.memory_space<vmem>> -> memref<100x64xf32, #tpu.memory_space<vmem>>
      %dma_start3A_110 = arith.constant 0 : i32
      %dma_start3A_111 = tpu.memref_slice %arg6[%add3A_106, %dma_start3A_110] : memref<64x100xi32, #tpu.memory_space<vmem>> -> memref<1x100xi32, #tpu.memory_space<vmem>>
      %dma_start3A_112 = tpu.memref_squeeze %dma_start3A_111 : memref<1x100xi32, #tpu.memory_space<vmem>> -> memref<100xi32, #tpu.memory_space<vmem>>
      %dma_start3A_113 = arith.constant 0 : i32
      %dma_start3A_114 = arith.constant 0 : i32
      %dma_start3A_115 = tpu.memref_slice %arg2[%dma_start3A_113, %dma_start3A_114] : memref<1000000x64xf32, #tpu.memory_space<hbm>> -> memref<1000000x64xf32, #tpu.memory_space<hbm>>
      tpu.enqueue_indirect_dma source(%dma_start3A_115 : memref<1000000x64xf32, #tpu.memory_space<hbm>>) target(%dma_start3A_109 : memref<100x64xf32, #tpu.memory_space<vmem>>) offsets(%dma_start3A_112 : memref<100xi32, #tpu.memory_space<vmem>>) semaphore(%arg9 : memref<!tpu.dma_semaphore, #tpu.memory_space<semaphore_mem>>) {add = true}
      %mul3A_116 = arith.constant 16 : i32
      %mul3A_117 = arith.muli %scan3A_11, %mul3A_116 : i32
      %add3A_118 = arith.constant 8 : i32
      %add3A_119 = arith.addi %mul3A_117, %add3A_118 : i32
      %dma_start3A_120 = arith.constant 800 : i32
      %dma_start3A_121 = arith.constant 0 : i32
      %dma_start3A_122 = tpu.memref_slice %arg8[%dma_start3A_120, %dma_start3A_121] : memref<1600x64xf32, #tpu.memory_space<vmem>> -> memref<100x64xf32, #tpu.memory_space<vmem>>
      %dma_start3A_123 = arith.constant 0 : i32
      %dma_start3A_124 = tpu.memref_slice %arg6[%add3A_119, %dma_start3A_123] : memref<64x100xi32, #tpu.memory_space<vmem>> -> memref<1x100xi32, #tpu.memory_space<vmem>>
      %dma_start3A_125 = tpu.memref_squeeze %dma_start3A_124 : memref<1x100xi32, #tpu.memory_space<vmem>> -> memref<100xi32, #tpu.memory_space<vmem>>
      %dma_start3A_126 = arith.constant 0 : i32
      %dma_start3A_127 = arith.constant 0 : i32
      %dma_start3A_128 = tpu.memref_slice %arg2[%dma_start3A_126, %dma_start3A_127] : memref<1000000x64xf32, #tpu.memory_space<hbm>> -> memref<1000000x64xf32, #tpu.memory_space<hbm>>
      tpu.enqueue_indirect_dma source(%dma_start3A_128 : memref<1000000x64xf32, #tpu.memory_space<hbm>>) target(%dma_start3A_122 : memref<100x64xf32, #tpu.memory_space<vmem>>) offsets(%dma_start3A_125 : memref<100xi32, #tpu.memory_space<vmem>>) semaphore(%arg9 : memref<!tpu.dma_semaphore, #tpu.memory_space<semaphore_mem>>) {add = true}
      %mul3A_129 = arith.constant 16 : i32
      %mul3A_130 = arith.muli %scan3A_11, %mul3A_129 : i32
      %add3A_131 = arith.constant 9 : i32
      %add3A_132 = arith.addi %mul3A_130, %add3A_131 : i32
      %dma_start3A_133 = arith.constant 900 : i32
      %dma_start3A_134 = arith.constant 0 : i32
      %dma_start3A_135 = tpu.memref_slice %arg8[%dma_start3A_133, %dma_start3A_134] : memref<1600x64xf32, #tpu.memory_space<vmem>> -> memref<100x64xf32, #tpu.memory_space<vmem>>
      %dma_start3A_136 = arith.constant 0 : i32
      %dma_start3A_137 = tpu.memref_slice %arg6[%add3A_132, %dma_start3A_136] : memref<64x100xi32, #tpu.memory_space<vmem>> -> memref<1x100xi32, #tpu.memory_space<vmem>>
      %dma_start3A_138 = tpu.memref_squeeze %dma_start3A_137 : memref<1x100xi32, #tpu.memory_space<vmem>> -> memref<100xi32, #tpu.memory_space<vmem>>
      %dma_start3A_139 = arith.constant 0 : i32
      %dma_start3A_140 = arith.constant 0 : i32
      %dma_start3A_141 = tpu.memref_slice %arg2[%dma_start3A_139, %dma_start3A_140] : memref<1000000x64xf32, #tpu.memory_space<hbm>> -> memref<1000000x64xf32, #tpu.memory_space<hbm>>
      tpu.enqueue_indirect_dma source(%dma_start3A_141 : memref<1000000x64xf32, #tpu.memory_space<hbm>>) target(%dma_start3A_135 : memref<100x64xf32, #tpu.memory_space<vmem>>) offsets(%dma_start3A_138 : memref<100xi32, #tpu.memory_space<vmem>>) semaphore(%arg9 : memref<!tpu.dma_semaphore, #tpu.memory_space<semaphore_mem>>) {add = true}
      %mul3A_142 = arith.constant 16 : i32
      %mul3A_143 = arith.muli %scan3A_11, %mul3A_142 : i32
      %add3A_144 = arith.constant 10 : i32
      %add3A_145 = arith.addi %mul3A_143, %add3A_144 : i32
      %dma_start3A_146 = arith.constant 1000 : i32
      %dma_start3A_147 = arith.constant 0 : i32
      %dma_start3A_148 = tpu.memref_slice %arg8[%dma_start3A_146, %dma_start3A_147] : memref<1600x64xf32, #tpu.memory_space<vmem>> -> memref<100x64xf32, #tpu.memory_space<vmem>>
      %dma_start3A_149 = arith.constant 0 : i32
      %dma_start3A_150 = tpu.memref_slice %arg6[%add3A_145, %dma_start3A_149] : memref<64x100xi32, #tpu.memory_space<vmem>> -> memref<1x100xi32, #tpu.memory_space<vmem>>
      %dma_start3A_151 = tpu.memref_squeeze %dma_start3A_150 : memref<1x100xi32, #tpu.memory_space<vmem>> -> memref<100xi32, #tpu.memory_space<vmem>>
      %dma_start3A_152 = arith.constant 0 : i32
      %dma_start3A_153 = arith.constant 0 : i32
      %dma_start3A_154 = tpu.memref_slice %arg2[%dma_start3A_152, %dma_start3A_153] : memref<1000000x64xf32, #tpu.memory_space<hbm>> -> memref<1000000x64xf32, #tpu.memory_space<hbm>>
      tpu.enqueue_indirect_dma source(%dma_start3A_154 : memref<1000000x64xf32, #tpu.memory_space<hbm>>) target(%dma_start3A_148 : memref<100x64xf32, #tpu.memory_space<vmem>>) offsets(%dma_start3A_151 : memref<100xi32, #tpu.memory_space<vmem>>) semaphore(%arg9 : memref<!tpu.dma_semaphore, #tpu.memory_space<semaphore_mem>>) {add = true}
      %mul3A_155 = arith.constant 16 : i32
      %mul3A_156 = arith.muli %scan3A_11, %mul3A_155 : i32
      %add3A_157 = arith.constant 11 : i32
      %add3A_158 = arith.addi %mul3A_156, %add3A_157 : i32
      %dma_start3A_159 = arith.constant 1100 : i32
      %dma_start3A_160 = arith.constant 0 : i32
      %dma_start3A_161 = tpu.memref_slice %arg8[%dma_start3A_159, %dma_start3A_160] : memref<1600x64xf32, #tpu.memory_space<vmem>> -> memref<100x64xf32, #tpu.memory_space<vmem>>
      %dma_start3A_162 = arith.constant 0 : i32
      %dma_start3A_163 = tpu.memref_slice %arg6[%add3A_158, %dma_start3A_162] : memref<64x100xi32, #tpu.memory_space<vmem>> -> memref<1x100xi32, #tpu.memory_space<vmem>>
      %dma_start3A_164 = tpu.memref_squeeze %dma_start3A_163 : memref<1x100xi32, #tpu.memory_space<vmem>> -> memref<100xi32, #tpu.memory_space<vmem>>
      %dma_start3A_165 = arith.constant 0 : i32
      %dma_start3A_166 = arith.constant 0 : i32
      %dma_start3A_167 = tpu.memref_slice %arg2[%dma_start3A_165, %dma_start3A_166] : memref<1000000x64xf32, #tpu.memory_space<hbm>> -> memref<1000000x64xf32, #tpu.memory_space<hbm>>
      tpu.enqueue_indirect_dma source(%dma_start3A_167 : memref<1000000x64xf32, #tpu.memory_space<hbm>>) target(%dma_start3A_161 : memref<100x64xf32, #tpu.memory_space<vmem>>) offsets(%dma_start3A_164 : memref<100xi32, #tpu.memory_space<vmem>>) semaphore(%arg9 : memref<!tpu.dma_semaphore, #tpu.memory_space<semaphore_mem>>) {add = true}
      %mul3A_168 = arith.constant 16 : i32
      %mul3A_169 = arith.muli %scan3A_11, %mul3A_168 : i32
      %add3A_170 = arith.constant 12 : i32
      %add3A_171 = arith.addi %mul3A_169, %add3A_170 : i32
      %dma_start3A_172 = arith.constant 1200 : i32
      %dma_start3A_173 = arith.constant 0 : i32
      %dma_start3A_174 = tpu.memref_slice %arg8[%dma_start3A_172, %dma_start3A_173] : memref<1600x64xf32, #tpu.memory_space<vmem>> -> memref<100x64xf32, #tpu.memory_space<vmem>>
      %dma_start3A_175 = arith.constant 0 : i32
      %dma_start3A_176 = tpu.memref_slice %arg6[%add3A_171, %dma_start3A_175] : memref<64x100xi32, #tpu.memory_space<vmem>> -> memref<1x100xi32, #tpu.memory_space<vmem>>
      %dma_start3A_177 = tpu.memref_squeeze %dma_start3A_176 : memref<1x100xi32, #tpu.memory_space<vmem>> -> memref<100xi32, #tpu.memory_space<vmem>>
      %dma_start3A_178 = arith.constant 0 : i32
      %dma_start3A_179 = arith.constant 0 : i32
      %dma_start3A_180 = tpu.memref_slice %arg2[%dma_start3A_178, %dma_start3A_179] : memref<1000000x64xf32, #tpu.memory_space<hbm>> -> memref<1000000x64xf32, #tpu.memory_space<hbm>>
      tpu.enqueue_indirect_dma source(%dma_start3A_180 : memref<1000000x64xf32, #tpu.memory_space<hbm>>) target(%dma_start3A_174 : memref<100x64xf32, #tpu.memory_space<vmem>>) offsets(%dma_start3A_177 : memref<100xi32, #tpu.memory_space<vmem>>) semaphore(%arg9 : memref<!tpu.dma_semaphore, #tpu.memory_space<semaphore_mem>>) {add = true}
      %mul3A_181 = arith.constant 16 : i32
      %mul3A_182 = arith.muli %scan3A_11, %mul3A_181 : i32
      %add3A_183 = arith.constant 13 : i32
      %add3A_184 = arith.addi %mul3A_182, %add3A_183 : i32
      %dma_start3A_185 = arith.constant 1300 : i32
      %dma_start3A_186 = arith.constant 0 : i32
      %dma_start3A_187 = tpu.memref_slice %arg8[%dma_start3A_185, %dma_start3A_186] : memref<1600x64xf32, #tpu.memory_space<vmem>> -> memref<100x64xf32, #tpu.memory_space<vmem>>
      %dma_start3A_188 = arith.constant 0 : i32
      %dma_start3A_189 = tpu.memref_slice %arg6[%add3A_184, %dma_start3A_188] : memref<64x100xi32, #tpu.memory_space<vmem>> -> memref<1x100xi32, #tpu.memory_space<vmem>>
      %dma_start3A_190 = tpu.memref_squeeze %dma_start3A_189 : memref<1x100xi32, #tpu.memory_space<vmem>> -> memref<100xi32, #tpu.memory_space<vmem>>
      %dma_start3A_191 = arith.constant 0 : i32
      %dma_start3A_192 = arith.constant 0 : i32
      %dma_start3A_193 = tpu.memref_slice %arg2[%dma_start3A_191, %dma_start3A_192] : memref<1000000x64xf32, #tpu.memory_space<hbm>> -> memref<1000000x64xf32, #tpu.memory_space<hbm>>
      tpu.enqueue_indirect_dma source(%dma_start3A_193 : memref<1000000x64xf32, #tpu.memory_space<hbm>>) target(%dma_start3A_187 : memref<100x64xf32, #tpu.memory_space<vmem>>) offsets(%dma_start3A_190 : memref<100xi32, #tpu.memory_space<vmem>>) semaphore(%arg9 : memref<!tpu.dma_semaphore, #tpu.memory_space<semaphore_mem>>) {add = true}
      %mul3A_194 = arith.constant 16 : i32
      %mul3A_195 = arith.muli %scan3A_11, %mul3A_194 : i32
      %add3A_196 = arith.constant 14 : i32
      %add3A_197 = arith.addi %mul3A_195, %add3A_196 : i32
      %dma_start3A_198 = arith.constant 1400 : i32
      %dma_start3A_199 = arith.constant 0 : i32
      %dma_start3A_200 = tpu.memref_slice %arg8[%dma_start3A_198, %dma_start3A_199] : memref<1600x64xf32, #tpu.memory_space<vmem>> -> memref<100x64xf32, #tpu.memory_space<vmem>>
      %dma_start3A_201 = arith.constant 0 : i32
      %dma_start3A_202 = tpu.memref_slice %arg6[%add3A_197, %dma_start3A_201] : memref<64x100xi32, #tpu.memory_space<vmem>> -> memref<1x100xi32, #tpu.memory_space<vmem>>
      %dma_start3A_203 = tpu.memref_squeeze %dma_start3A_202 : memref<1x100xi32, #tpu.memory_space<vmem>> -> memref<100xi32, #tpu.memory_space<vmem>>
      %dma_start3A_204 = arith.constant 0 : i32
      %dma_start3A_205 = arith.constant 0 : i32
      %dma_start3A_206 = tpu.memref_slice %arg2[%dma_start3A_204, %dma_start3A_205] : memref<1000000x64xf32, #tpu.memory_space<hbm>> -> memref<1000000x64xf32, #tpu.memory_space<hbm>>
      tpu.enqueue_indirect_dma source(%dma_start3A_206 : memref<1000000x64xf32, #tpu.memory_space<hbm>>) target(%dma_start3A_200 : memref<100x64xf32, #tpu.memory_space<vmem>>) offsets(%dma_start3A_203 : memref<100xi32, #tpu.memory_space<vmem>>) semaphore(%arg9 : memref<!tpu.dma_semaphore, #tpu.memory_space<semaphore_mem>>) {add = true}
      %mul3A_207 = arith.constant 16 : i32
      %mul3A_208 = arith.muli %scan3A_11, %mul3A_207 : i32
      %add3A_209 = arith.constant 15 : i32
      %add3A_210 = arith.addi %mul3A_208, %add3A_209 : i32
      %dma_start3A_211 = arith.constant 1500 : i32
      %dma_start3A_212 = arith.constant 0 : i32
      %dma_start3A_213 = tpu.memref_slice %arg8[%dma_start3A_211, %dma_start3A_212] : memref<1600x64xf32, #tpu.memory_space<vmem>> -> memref<100x64xf32, #tpu.memory_space<vmem>>
      %dma_start3A_214 = arith.constant 0 : i32
      %dma_start3A_215 = tpu.memref_slice %arg6[%add3A_210, %dma_start3A_214] : memref<64x100xi32, #tpu.memory_space<vmem>> -> memref<1x100xi32, #tpu.memory_space<vmem>>
      %dma_start3A_216 = tpu.memref_squeeze %dma_start3A_215 : memref<1x100xi32, #tpu.memory_space<vmem>> -> memref<100xi32, #tpu.memory_space<vmem>>
      %dma_start3A_217 = arith.constant 0 : i32
      %dma_start3A_218 = arith.constant 0 : i32
      %dma_start3A_219 = tpu.memref_slice %arg2[%dma_start3A_217, %dma_start3A_218] : memref<1000000x64xf32, #tpu.memory_space<hbm>> -> memref<1000000x64xf32, #tpu.memory_space<hbm>>
      tpu.enqueue_indirect_dma source(%dma_start3A_219 : memref<1000000x64xf32, #tpu.memory_space<hbm>>) target(%dma_start3A_213 : memref<100x64xf32, #tpu.memory_space<vmem>>) offsets(%dma_start3A_216 : memref<100xi32, #tpu.memory_space<vmem>>) semaphore(%arg9 : memref<!tpu.dma_semaphore, #tpu.memory_space<semaphore_mem>>) {add = true}
      %dma_wait3A = arith.constant 0 : i32
      %dma_wait3A_220 = arith.constant 0 : i32
      %dma_wait3A_221 = tpu.memref_slice %arg8[%dma_wait3A, %dma_wait3A_220] : memref<1600x64xf32, #tpu.memory_space<vmem>> -> memref<100x64xf32, #tpu.memory_space<vmem>>
      %dma_wait3A_222 = arith.constant 0 : i32
      %dma_wait3A_223 = tpu.memref_slice %arg6[%add3A_16, %dma_wait3A_222] : memref<64x100xi32, #tpu.memory_space<vmem>> -> memref<1x100xi32, #tpu.memory_space<vmem>>
      %dma_wait3A_224 = tpu.memref_squeeze %dma_wait3A_223 : memref<1x100xi32, #tpu.memory_space<vmem>> -> memref<100xi32, #tpu.memory_space<vmem>>
      %dma_wait3A_225 = arith.constant 0 : i32
      %dma_wait3A_226 = arith.constant 0 : i32
      %dma_wait3A_227 = tpu.memref_slice %arg2[%dma_wait3A_225, %dma_wait3A_226] : memref<1000000x64xf32, #tpu.memory_space<hbm>> -> memref<1000000x64xf32, #tpu.memory_space<hbm>>
      tpu.wait_indirect_dma semaphore(%arg9 : memref<!tpu.dma_semaphore, #tpu.memory_space<semaphore_mem>>) src(%dma_wait3A_227 : memref<1000000x64xf32, #tpu.memory_space<hbm>>) dst(%dma_wait3A_221 : memref<100x64xf32, #tpu.memory_space<vmem>>)
      %dma_wait3A_228 = arith.constant 100 : i32
      %dma_wait3A_229 = arith.constant 0 : i32
      %dma_wait3A_230 = tpu.memref_slice %arg8[%dma_wait3A_228, %dma_wait3A_229] : memref<1600x64xf32, #tpu.memory_space<vmem>> -> memref<100x64xf32, #tpu.memory_space<vmem>>
      %dma_wait3A_231 = arith.constant 0 : i32
      %dma_wait3A_232 = tpu.memref_slice %arg6[%add3A_28, %dma_wait3A_231] : memref<64x100xi32, #tpu.memory_space<vmem>> -> memref<1x100xi32, #tpu.memory_space<vmem>>
      %dma_wait3A_233 = tpu.memref_squeeze %dma_wait3A_232 : memref<1x100xi32, #tpu.memory_space<vmem>> -> memref<100xi32, #tpu.memory_space<vmem>>
      %dma_wait3A_234 = arith.constant 0 : i32
      %dma_wait3A_235 = arith.constant 0 : i32
      %dma_wait3A_236 = tpu.memref_slice %arg2[%dma_wait3A_234, %dma_wait3A_235] : memref<1000000x64xf32, #tpu.memory_space<hbm>> -> memref<1000000x64xf32, #tpu.memory_space<hbm>>
      tpu.wait_indirect_dma semaphore(%arg9 : memref<!tpu.dma_semaphore, #tpu.memory_space<semaphore_mem>>) src(%dma_wait3A_236 : memref<1000000x64xf32, #tpu.memory_space<hbm>>) dst(%dma_wait3A_230 : memref<100x64xf32, #tpu.memory_space<vmem>>)
      %dma_wait3A_237 = arith.constant 200 : i32
      %dma_wait3A_238 = arith.constant 0 : i32
      %dma_wait3A_239 = tpu.memref_slice %arg8[%dma_wait3A_237, %dma_wait3A_238] : memref<1600x64xf32, #tpu.memory_space<vmem>> -> memref<100x64xf32, #tpu.memory_space<vmem>>
      %dma_wait3A_240 = arith.constant 0 : i32
      %dma_wait3A_241 = tpu.memref_slice %arg6[%add3A_41, %dma_wait3A_240] : memref<64x100xi32, #tpu.memory_space<vmem>> -> memref<1x100xi32, #tpu.memory_space<vmem>>
      %dma_wait3A_242 = tpu.memref_squeeze %dma_wait3A_241 : memref<1x100xi32, #tpu.memory_space<vmem>> -> memref<100xi32, #tpu.memory_space<vmem>>
      %dma_wait3A_243 = arith.constant 0 : i32
      %dma_wait3A_244 = arith.constant 0 : i32
      %dma_wait3A_245 = tpu.memref_slice %arg2[%dma_wait3A_243, %dma_wait3A_244] : memref<1000000x64xf32, #tpu.memory_space<hbm>> -> memref<1000000x64xf32, #tpu.memory_space<hbm>>
      tpu.wait_indirect_dma semaphore(%arg9 : memref<!tpu.dma_semaphore, #tpu.memory_space<semaphore_mem>>) src(%dma_wait3A_245 : memref<1000000x64xf32, #tpu.memory_space<hbm>>) dst(%dma_wait3A_239 : memref<100x64xf32, #tpu.memory_space<vmem>>)
      %dma_wait3A_246 = arith.constant 300 : i32
      %dma_wait3A_247 = arith.constant 0 : i32
      %dma_wait3A_248 = tpu.memref_slice %arg8[%dma_wait3A_246, %dma_wait3A_247] : memref<1600x64xf32, #tpu.memory_space<vmem>> -> memref<100x64xf32, #tpu.memory_space<vmem>>
      %dma_wait3A_249 = arith.constant 0 : i32
      %dma_wait3A_250 = tpu.memref_slice %arg6[%add3A_54, %dma_wait3A_249] : memref<64x100xi32, #tpu.memory_space<vmem>> -> memref<1x100xi32, #tpu.memory_space<vmem>>
      %dma_wait3A_251 = tpu.memref_squeeze %dma_wait3A_250 : memref<1x100xi32, #tpu.memory_space<vmem>> -> memref<100xi32, #tpu.memory_space<vmem>>
      %dma_wait3A_252 = arith.constant 0 : i32
      %dma_wait3A_253 = arith.constant 0 : i32
      %dma_wait3A_254 = tpu.memref_slice %arg2[%dma_wait3A_252, %dma_wait3A_253] : memref<1000000x64xf32, #tpu.memory_space<hbm>> -> memref<1000000x64xf32, #tpu.memory_space<hbm>>
      tpu.wait_indirect_dma semaphore(%arg9 : memref<!tpu.dma_semaphore, #tpu.memory_space<semaphore_mem>>) src(%dma_wait3A_254 : memref<1000000x64xf32, #tpu.memory_space<hbm>>) dst(%dma_wait3A_248 : memref<100x64xf32, #tpu.memory_space<vmem>>)
      %dma_wait3A_255 = arith.constant 400 : i32
      %dma_wait3A_256 = arith.constant 0 : i32
      %dma_wait3A_257 = tpu.memref_slice %arg8[%dma_wait3A_255, %dma_wait3A_256] : memref<1600x64xf32, #tpu.memory_space<vmem>> -> memref<100x64xf32, #tpu.memory_space<vmem>>
      %dma_wait3A_258 = arith.constant 0 : i32
      %dma_wait3A_259 = tpu.memref_slice %arg6[%add3A_67, %dma_wait3A_258] : memref<64x100xi32, #tpu.memory_space<vmem>> -> memref<1x100xi32, #tpu.memory_space<vmem>>
      %dma_wait3A_260 = tpu.memref_squeeze %dma_wait3A_259 : memref<1x100xi32, #tpu.memory_space<vmem>> -> memref<100xi32, #tpu.memory_space<vmem>>
      %dma_wait3A_261 = arith.constant 0 : i32
      %dma_wait3A_262 = arith.constant 0 : i32
      %dma_wait3A_263 = tpu.memref_slice %arg2[%dma_wait3A_261, %dma_wait3A_262] : memref<1000000x64xf32, #tpu.memory_space<hbm>> -> memref<1000000x64xf32, #tpu.memory_space<hbm>>
      tpu.wait_indirect_dma semaphore(%arg9 : memref<!tpu.dma_semaphore, #tpu.memory_space<semaphore_mem>>) src(%dma_wait3A_263 : memref<1000000x64xf32, #tpu.memory_space<hbm>>) dst(%dma_wait3A_257 : memref<100x64xf32, #tpu.memory_space<vmem>>)
      %dma_wait3A_264 = arith.constant 500 : i32
      %dma_wait3A_265 = arith.constant 0 : i32
      %dma_wait3A_266 = tpu.memref_slice %arg8[%dma_wait3A_264, %dma_wait3A_265] : memref<1600x64xf32, #tpu.memory_space<vmem>> -> memref<100x64xf32, #tpu.memory_space<vmem>>
      %dma_wait3A_267 = arith.constant 0 : i32
      %dma_wait3A_268 = tpu.memref_slice %arg6[%add3A_80, %dma_wait3A_267] : memref<64x100xi32, #tpu.memory_space<vmem>> -> memref<1x100xi32, #tpu.memory_space<vmem>>
      %dma_wait3A_269 = tpu.memref_squeeze %dma_wait3A_268 : memref<1x100xi32, #tpu.memory_space<vmem>> -> memref<100xi32, #tpu.memory_space<vmem>>
      %dma_wait3A_270 = arith.constant 0 : i32
      %dma_wait3A_271 = arith.constant 0 : i32
      %dma_wait3A_272 = tpu.memref_slice %arg2[%dma_wait3A_270, %dma_wait3A_271] : memref<1000000x64xf32, #tpu.memory_space<hbm>> -> memref<1000000x64xf32, #tpu.memory_space<hbm>>
      tpu.wait_indirect_dma semaphore(%arg9 : memref<!tpu.dma_semaphore, #tpu.memory_space<semaphore_mem>>) src(%dma_wait3A_272 : memref<1000000x64xf32, #tpu.memory_space<hbm>>) dst(%dma_wait3A_266 : memref<100x64xf32, #tpu.memory_space<vmem>>)
      %dma_wait3A_273 = arith.constant 600 : i32
      %dma_wait3A_274 = arith.constant 0 : i32
      %dma_wait3A_275 = tpu.memref_slice %arg8[%dma_wait3A_273, %dma_wait3A_274] : memref<1600x64xf32, #tpu.memory_space<vmem>> -> memref<100x64xf32, #tpu.memory_space<vmem>>
      %dma_wait3A_276 = arith.constant 0 : i32
      %dma_wait3A_277 = tpu.memref_slice %arg6[%add3A_93, %dma_wait3A_276] : memref<64x100xi32, #tpu.memory_space<vmem>> -> memref<1x100xi32, #tpu.memory_space<vmem>>
      %dma_wait3A_278 = tpu.memref_squeeze %dma_wait3A_277 : memref<1x100xi32, #tpu.memory_space<vmem>> -> memref<100xi32, #tpu.memory_space<vmem>>
      %dma_wait3A_279 = arith.constant 0 : i32
      %dma_wait3A_280 = arith.constant 0 : i32
      %dma_wait3A_281 = tpu.memref_slice %arg2[%dma_wait3A_279, %dma_wait3A_280] : memref<1000000x64xf32, #tpu.memory_space<hbm>> -> memref<1000000x64xf32, #tpu.memory_space<hbm>>
      tpu.wait_indirect_dma semaphore(%arg9 : memref<!tpu.dma_semaphore, #tpu.memory_space<semaphore_mem>>) src(%dma_wait3A_281 : memref<1000000x64xf32, #tpu.memory_space<hbm>>) dst(%dma_wait3A_275 : memref<100x64xf32, #tpu.memory_space<vmem>>)
      %dma_wait3A_282 = arith.constant 700 : i32
      %dma_wait3A_283 = arith.constant 0 : i32
      %dma_wait3A_284 = tpu.memref_slice %arg8[%dma_wait3A_282, %dma_wait3A_283] : memref<1600x64xf32, #tpu.memory_space<vmem>> -> memref<100x64xf32, #tpu.memory_space<vmem>>
      %dma_wait3A_285 = arith.constant 0 : i32
      %dma_wait3A_286 = tpu.memref_slice %arg6[%add3A_106, %dma_wait3A_285] : memref<64x100xi32, #tpu.memory_space<vmem>> -> memref<1x100xi32, #tpu.memory_space<vmem>>
      %dma_wait3A_287 = tpu.memref_squeeze %dma_wait3A_286 : memref<1x100xi32, #tpu.memory_space<vmem>> -> memref<100xi32, #tpu.memory_space<vmem>>
      %dma_wait3A_288 = arith.constant 0 : i32
      %dma_wait3A_289 = arith.constant 0 : i32
      %dma_wait3A_290 = tpu.memref_slice %arg2[%dma_wait3A_288, %dma_wait3A_289] : memref<1000000x64xf32, #tpu.memory_space<hbm>> -> memref<1000000x64xf32, #tpu.memory_space<hbm>>
      tpu.wait_indirect_dma semaphore(%arg9 : memref<!tpu.dma_semaphore, #tpu.memory_space<semaphore_mem>>) src(%dma_wait3A_290 : memref<1000000x64xf32, #tpu.memory_space<hbm>>) dst(%dma_wait3A_284 : memref<100x64xf32, #tpu.memory_space<vmem>>)
      %dma_wait3A_291 = arith.constant 800 : i32
      %dma_wait3A_292 = arith.constant 0 : i32
      %dma_wait3A_293 = tpu.memref_slice %arg8[%dma_wait3A_291, %dma_wait3A_292] : memref<1600x64xf32, #tpu.memory_space<vmem>> -> memref<100x64xf32, #tpu.memory_space<vmem>>
      %dma_wait3A_294 = arith.constant 0 : i32
      %dma_wait3A_295 = tpu.memref_slice %arg6[%add3A_119, %dma_wait3A_294] : memref<64x100xi32, #tpu.memory_space<vmem>> -> memref<1x100xi32, #tpu.memory_space<vmem>>
      %dma_wait3A_296 = tpu.memref_squeeze %dma_wait3A_295 : memref<1x100xi32, #tpu.memory_space<vmem>> -> memref<100xi32, #tpu.memory_space<vmem>>
      %dma_wait3A_297 = arith.constant 0 : i32
      %dma_wait3A_298 = arith.constant 0 : i32
      %dma_wait3A_299 = tpu.memref_slice %arg2[%dma_wait3A_297, %dma_wait3A_298] : memref<1000000x64xf32, #tpu.memory_space<hbm>> -> memref<1000000x64xf32, #tpu.memory_space<hbm>>
      tpu.wait_indirect_dma semaphore(%arg9 : memref<!tpu.dma_semaphore, #tpu.memory_space<semaphore_mem>>) src(%dma_wait3A_299 : memref<1000000x64xf32, #tpu.memory_space<hbm>>) dst(%dma_wait3A_293 : memref<100x64xf32, #tpu.memory_space<vmem>>)
      %dma_wait3A_300 = arith.constant 900 : i32
      %dma_wait3A_301 = arith.constant 0 : i32
      %dma_wait3A_302 = tpu.memref_slice %arg8[%dma_wait3A_300, %dma_wait3A_301] : memref<1600x64xf32, #tpu.memory_space<vmem>> -> memref<100x64xf32, #tpu.memory_space<vmem>>
      %dma_wait3A_303 = arith.constant 0 : i32
      %dma_wait3A_304 = tpu.memref_slice %arg6[%add3A_132, %dma_wait3A_303] : memref<64x100xi32, #tpu.memory_space<vmem>> -> memref<1x100xi32, #tpu.memory_space<vmem>>
      %dma_wait3A_305 = tpu.memref_squeeze %dma_wait3A_304 : memref<1x100xi32, #tpu.memory_space<vmem>> -> memref<100xi32, #tpu.memory_space<vmem>>
      %dma_wait3A_306 = arith.constant 0 : i32
      %dma_wait3A_307 = arith.constant 0 : i32
      %dma_wait3A_308 = tpu.memref_slice %arg2[%dma_wait3A_306, %dma_wait3A_307] : memref<1000000x64xf32, #tpu.memory_space<hbm>> -> memref<1000000x64xf32, #tpu.memory_space<hbm>>
      tpu.wait_indirect_dma semaphore(%arg9 : memref<!tpu.dma_semaphore, #tpu.memory_space<semaphore_mem>>) src(%dma_wait3A_308 : memref<1000000x64xf32, #tpu.memory_space<hbm>>) dst(%dma_wait3A_302 : memref<100x64xf32, #tpu.memory_space<vmem>>)
      %dma_wait3A_309 = arith.constant 1000 : i32
      %dma_wait3A_310 = arith.constant 0 : i32
      %dma_wait3A_311 = tpu.memref_slice %arg8[%dma_wait3A_309, %dma_wait3A_310] : memref<1600x64xf32, #tpu.memory_space<vmem>> -> memref<100x64xf32, #tpu.memory_space<vmem>>
      %dma_wait3A_312 = arith.constant 0 : i32
      %dma_wait3A_313 = tpu.memref_slice %arg6[%add3A_145, %dma_wait3A_312] : memref<64x100xi32, #tpu.memory_space<vmem>> -> memref<1x100xi32, #tpu.memory_space<vmem>>
      %dma_wait3A_314 = tpu.memref_squeeze %dma_wait3A_313 : memref<1x100xi32, #tpu.memory_space<vmem>> -> memref<100xi32, #tpu.memory_space<vmem>>
      %dma_wait3A_315 = arith.constant 0 : i32
      %dma_wait3A_316 = arith.constant 0 : i32
      %dma_wait3A_317 = tpu.memref_slice %arg2[%dma_wait3A_315, %dma_wait3A_316] : memref<1000000x64xf32, #tpu.memory_space<hbm>> -> memref<1000000x64xf32, #tpu.memory_space<hbm>>
      tpu.wait_indirect_dma semaphore(%arg9 : memref<!tpu.dma_semaphore, #tpu.memory_space<semaphore_mem>>) src(%dma_wait3A_317 : memref<1000000x64xf32, #tpu.memory_space<hbm>>) dst(%dma_wait3A_311 : memref<100x64xf32, #tpu.memory_space<vmem>>)
      %dma_wait3A_318 = arith.constant 1100 : i32
      %dma_wait3A_319 = arith.constant 0 : i32
      %dma_wait3A_320 = tpu.memref_slice %arg8[%dma_wait3A_318, %dma_wait3A_319] : memref<1600x64xf32, #tpu.memory_space<vmem>> -> memref<100x64xf32, #tpu.memory_space<vmem>>
      %dma_wait3A_321 = arith.constant 0 : i32
      %dma_wait3A_322 = tpu.memref_slice %arg6[%add3A_158, %dma_wait3A_321] : memref<64x100xi32, #tpu.memory_space<vmem>> -> memref<1x100xi32, #tpu.memory_space<vmem>>
      %dma_wait3A_323 = tpu.memref_squeeze %dma_wait3A_322 : memref<1x100xi32, #tpu.memory_space<vmem>> -> memref<100xi32, #tpu.memory_space<vmem>>
      %dma_wait3A_324 = arith.constant 0 : i32
      %dma_wait3A_325 = arith.constant 0 : i32
      %dma_wait3A_326 = tpu.memref_slice %arg2[%dma_wait3A_324, %dma_wait3A_325] : memref<1000000x64xf32, #tpu.memory_space<hbm>> -> memref<1000000x64xf32, #tpu.memory_space<hbm>>
      tpu.wait_indirect_dma semaphore(%arg9 : memref<!tpu.dma_semaphore, #tpu.memory_space<semaphore_mem>>) src(%dma_wait3A_326 : memref<1000000x64xf32, #tpu.memory_space<hbm>>) dst(%dma_wait3A_320 : memref<100x64xf32, #tpu.memory_space<vmem>>)
      %dma_wait3A_327 = arith.constant 1200 : i32
      %dma_wait3A_328 = arith.constant 0 : i32
      %dma_wait3A_329 = tpu.memref_slice %arg8[%dma_wait3A_327, %dma_wait3A_328] : memref<1600x64xf32, #tpu.memory_space<vmem>> -> memref<100x64xf32, #tpu.memory_space<vmem>>
      %dma_wait3A_330 = arith.constant 0 : i32
      %dma_wait3A_331 = tpu.memref_slice %arg6[%add3A_171, %dma_wait3A_330] : memref<64x100xi32, #tpu.memory_space<vmem>> -> memref<1x100xi32, #tpu.memory_space<vmem>>
      %dma_wait3A_332 = tpu.memref_squeeze %dma_wait3A_331 : memref<1x100xi32, #tpu.memory_space<vmem>> -> memref<100xi32, #tpu.memory_space<vmem>>
      %dma_wait3A_333 = arith.constant 0 : i32
      %dma_wait3A_334 = arith.constant 0 : i32
      %dma_wait3A_335 = tpu.memref_slice %arg2[%dma_wait3A_333, %dma_wait3A_334] : memref<1000000x64xf32, #tpu.memory_space<hbm>> -> memref<1000000x64xf32, #tpu.memory_space<hbm>>
      tpu.wait_indirect_dma semaphore(%arg9 : memref<!tpu.dma_semaphore, #tpu.memory_space<semaphore_mem>>) src(%dma_wait3A_335 : memref<1000000x64xf32, #tpu.memory_space<hbm>>) dst(%dma_wait3A_329 : memref<100x64xf32, #tpu.memory_space<vmem>>)
      %dma_wait3A_336 = arith.constant 1300 : i32
      %dma_wait3A_337 = arith.constant 0 : i32
      %dma_wait3A_338 = tpu.memref_slice %arg8[%dma_wait3A_336, %dma_wait3A_337] : memref<1600x64xf32, #tpu.memory_space<vmem>> -> memref<100x64xf32, #tpu.memory_space<vmem>>
      %dma_wait3A_339 = arith.constant 0 : i32
      %dma_wait3A_340 = tpu.memref_slice %arg6[%add3A_184, %dma_wait3A_339] : memref<64x100xi32, #tpu.memory_space<vmem>> -> memref<1x100xi32, #tpu.memory_space<vmem>>
      %dma_wait3A_341 = tpu.memref_squeeze %dma_wait3A_340 : memref<1x100xi32, #tpu.memory_space<vmem>> -> memref<100xi32, #tpu.memory_space<vmem>>
      %dma_wait3A_342 = arith.constant 0 : i32
      %dma_wait3A_343 = arith.constant 0 : i32
      %dma_wait3A_344 = tpu.memref_slice %arg2[%dma_wait3A_342, %dma_wait3A_343] : memref<1000000x64xf32, #tpu.memory_space<hbm>> -> memref<1000000x64xf32, #tpu.memory_space<hbm>>
      tpu.wait_indirect_dma semaphore(%arg9 : memref<!tpu.dma_semaphore, #tpu.memory_space<semaphore_mem>>) src(%dma_wait3A_344 : memref<1000000x64xf32, #tpu.memory_space<hbm>>) dst(%dma_wait3A_338 : memref<100x64xf32, #tpu.memory_space<vmem>>)
      %dma_wait3A_345 = arith.constant 1400 : i32
      %dma_wait3A_346 = arith.constant 0 : i32
      %dma_wait3A_347 = tpu.memref_slice %arg8[%dma_wait3A_345, %dma_wait3A_346] : memref<1600x64xf32, #tpu.memory_space<vmem>> -> memref<100x64xf32, #tpu.memory_space<vmem>>
      %dma_wait3A_348 = arith.constant 0 : i32
      %dma_wait3A_349 = tpu.memref_slice %arg6[%add3A_197, %dma_wait3A_348] : memref<64x100xi32, #tpu.memory_space<vmem>> -> memref<1x100xi32, #tpu.memory_space<vmem>>
      %dma_wait3A_350 = tpu.memref_squeeze %dma_wait3A_349 : memref<1x100xi32, #tpu.memory_space<vmem>> -> memref<100xi32, #tpu.memory_space<vmem>>
      %dma_wait3A_351 = arith.constant 0 : i32
      %dma_wait3A_352 = arith.constant 0 : i32
      %dma_wait3A_353 = tpu.memref_slice %arg2[%dma_wait3A_351, %dma_wait3A_352] : memref<1000000x64xf32, #tpu.memory_space<hbm>> -> memref<1000000x64xf32, #tpu.memory_space<hbm>>
      tpu.wait_indirect_dma semaphore(%arg9 : memref<!tpu.dma_semaphore, #tpu.memory_space<semaphore_mem>>) src(%dma_wait3A_353 : memref<1000000x64xf32, #tpu.memory_space<hbm>>) dst(%dma_wait3A_347 : memref<100x64xf32, #tpu.memory_space<vmem>>)
      %dma_wait3A_354 = arith.constant 1500 : i32
      %dma_wait3A_355 = arith.constant 0 : i32
      %dma_wait3A_356 = tpu.memref_slice %arg8[%dma_wait3A_354, %dma_wait3A_355] : memref<1600x64xf32, #tpu.memory_space<vmem>> -> memref<100x64xf32, #tpu.memory_space<vmem>>
      %dma_wait3A_357 = arith.constant 0 : i32
      %dma_wait3A_358 = tpu.memref_slice %arg6[%add3A_210, %dma_wait3A_357] : memref<64x100xi32, #tpu.memory_space<vmem>> -> memref<1x100xi32, #tpu.memory_space<vmem>>
      %dma_wait3A_359 = tpu.memref_squeeze %dma_wait3A_358 : memref<1x100xi32, #tpu.memory_space<vmem>> -> memref<100xi32, #tpu.memory_space<vmem>>
      %dma_wait3A_360 = arith.constant 0 : i32
      %dma_wait3A_361 = arith.constant 0 : i32
      %dma_wait3A_362 = tpu.memref_slice %arg2[%dma_wait3A_360, %dma_wait3A_361] : memref<1000000x64xf32, #tpu.memory_space<hbm>> -> memref<1000000x64xf32, #tpu.memory_space<hbm>>
      tpu.wait_indirect_dma semaphore(%arg9 : memref<!tpu.dma_semaphore, #tpu.memory_space<semaphore_mem>>) src(%dma_wait3A_362 : memref<1000000x64xf32, #tpu.memory_space<hbm>>) dst(%dma_wait3A_356 : memref<100x64xf32, #tpu.memory_space<vmem>>)
      %mul3A_363 = arith.constant 1600 : i32
      %mul3A_364 = arith.muli %scan3A_11, %mul3A_363 : i32
      %add3A_365 = arith.addi %mul3A_2, %mul3A_364 : i32
      "tpu.region"() ({
        %run_scoped3A = tpu.sem_alloc : memref<!tpu.dma_semaphore, #tpu.memory_space<semaphore_mem>>
        %dma_start3A_367 = arith.constant 0 : i32
        %dma_start3A_368 = tpu.memref_slice %arg5[%add3A_365, %dma_start3A_367] : memref<204800x64xf32, #tpu.memory_space<hbm>> -> memref<1600x64xf32, #tpu.memory_space<hbm>>
        %dma_start3A_369 = arith.constant 0 : i32
        %dma_start3A_370 = tpu.memref_slice %arg5[%add3A_365, %dma_start3A_369] : memref<204800x64xf32, #tpu.memory_space<hbm>> -> memref<1600x64xf32, #tpu.memory_space<hbm>>
        tpu.enqueue_dma source(%arg8 : memref<1600x64xf32, #tpu.memory_space<vmem>>) target(%dma_start3A_370 : memref<1600x64xf32, #tpu.memory_space<hbm>>) target_semaphore(%run_scoped3A : memref<!tpu.dma_semaphore, #tpu.memory_space<semaphore_mem>>)
        %dma_wait3A_371 = arith.constant 0 : i32
        %dma_wait3A_372 = tpu.memref_slice %arg5[%add3A_365, %dma_wait3A_371] : memref<204800x64xf32, #tpu.memory_space<hbm>> -> memref<1600x64xf32, #tpu.memory_space<hbm>>
        %dma_wait3A_373 = arith.constant 0 : i32
        %dma_wait3A_374 = tpu.memref_slice %arg5[%add3A_365, %dma_wait3A_373] : memref<204800x64xf32, #tpu.memory_space<hbm>> -> memref<1600x64xf32, #tpu.memory_space<hbm>>
        tpu.wait_dma2 semaphore(%run_scoped3A : memref<!tpu.dma_semaphore, #tpu.memory_space<semaphore_mem>>) src(%arg8 : memref<1600x64xf32, #tpu.memory_space<vmem>>) dst(%dma_wait3A_374 : memref<1600x64xf32, #tpu.memory_space<hbm>>)
        tpu.yield
      }) : () -> ()
      %scan3A_366 = arith.constant 0 : i32
      scf.yield %scan3A_366 : i32
    }
    %scan3A_10 = arith.constant 4 : i32
    return
  }
}

</mosaic_0001>

<sc_bundles>
// kernel: _embed.3.cloned.1.call-start
scs
__scs_entry_jumppad:
0x0: {  	(pc) =	sbr.rel $0x88, $3  }
0x1: {  	(tag) =	ssettag $0x0;
	lr =	simm.s32 $0x1  }
0x2: {  	[smem:$0x3F9E] =	sst lr;
	_ =	strace $0xD0000000  }
0x3: {  	_ = 	snop  }
0x4: {  	_ = 	snop  }
0x5: {  	_ = 	snop  }
0x6: {  	_ = 	snop  }
0x7: {  	_ = 	snop  }
__scs_overlays_trampoline_lowered:
0x8: {  	[smem:$0x3FAD] =	sst s0  }
0x9: {  	[smem:$0x3FAE] =	sst s1  }
0xa: {  	[smem:$0x3FAF] =	sst s2  }
0xb: {  	[smem:$0x3FB0] =	sst s3  }
0xc: {  	[smem:$0x3FB1] =	sst s4  }
0xd: {  	[smem:$0x3FB2] =	sst s5  }
0xe: {  	[smem:$0x3FB3] =	sst s6  }
0xf: {  	[smem:$0x3FB4] =	sst s7  }
0x10: {  	[smem:$0x3FB5] =	sst s8  }
0x11: {  	[smem:$0x3FB6] =	sst s9;
	s0 =	simm.s32 @!p0 $0x0  }
0x12: {  	s1 =	sld [smem:$0x3F9C];
	s0 =	simm.s32 @p0 $0x1  }
0x13: {  	[smem:$0x3FB7] =	sst s0;
	s0 =	simm.s32 @!p1 $0x0  }
0x14: {  	s2 =	sld [smem:$0x3F9B];
	s0 =	simm.s32 @p1 $0x1  }
0x15: {  	[smem:$0x3FB8] =	sst s0;
	s0 =	simm.s32 @!p2 $0x0  }
0x16: {  	s3 =	sld [smem:$0x3FDB];
	s0 =	simm.s32 @p2 $0x1  }
0x17: {  	s4 =	simm.s32 $0x1BF5;
	[smem:$0x3FBA] =	sst s0  }
0x18: {  	s0 =	sld [smem:$0x3F9D];
	_ =	swait.ge [sflag:s4], $0x0  }
0x19: {  	s7 =	sld [smem:$0x3F9E]  }
0x1a: {  	s8 =	sadd.s32 $0xFFFFE003, lr  }
0x1b: {  	s9 =	sadd.s32 $0xFFFFFEF7, lr;
	s5 =	simm.s32 $0xFFFFFFFF;
	p2 =	slt.u32 s8, $0xFFFFF086  }
0x1c: {  	p1 =	slt.u32 s9, $0xF7A;
	s5 =	simm.s32 @!p2 $0x0  }
0x1d: {  	s5 =	simm.s32 @p1 $0x1;
	p0 =	seq.s32 s7, s2  }
0x1e: {  	s7 =	smul.u32 @!p0 $0xF7A, s2;
	p2 =	seq.s32 @!p0 s5, $0x0  }
0x1f: {  	s9 =	smul.u32 $0xF7A, s1;
	s8 =	simm.s32 @!p0 $0x1BF5;
	p2 =	por !p2, p0  }
0x20: {  	[sflag:s8] =	ssyncset.s32 @!p0 $0xFFFFF086;
	s6 =	sadd.s32 @!p0 s3, s7;
	s7 =	simm.s32 @!p0 $0x108  }
0x21: {  	s3 =	sadd.s32 s3, s9;
	s6 =	sadd.s32 @!p0 $0x88, s6;
	s7 =	simm.s32 @p2 $0x1082  }
0x22: {  	[simem:s7], [sflag:s8] =	dma.local @!p0 [hbm:s6], $0xF7A  }
0x23: {  	s9 =	sor.u32 $0xD0000000, s2;
	s6 =	simm.s32 $0x108;
	_ =	swait.ge @!p0 [sflag:s8], $0x0  }
0x24: {  	s3 =	sadd.s32 $0x88, s3;
	s6 =	simm.s32 @!p1 $0x1082;
	[sflag:s4] =	ssyncset.s32 $0xFFFFF086  }
0x25: {  	[simem:s6], [sflag:s4] =	dma.local [hbm:s3], $0xF7A  }
0x26: {  	[smem:$0x3F9E] =	sst s1;
	(tag) =	ssettag s2;
	_ =	strace s9  }
0x27: {  	s1 =	sld [smem:$0x3FAE]  }
0x28: {  	s2 =	sld [smem:$0x3FAF]  }
0x29: {  	s4 =	sld [smem:$0x3FB1]  }
0x2a: {  	p0 =	seq.s32 s5, $0x0;
	s5 =	sld [smem:$0x3FB2]  }
0x2b: {  	s6 =	sld [smem:$0x3FB3]  }
0x2c: {  	s7 =	sld [smem:$0x3FB4]  }
0x2d: {  	s3 =	simm.s32 $0x108;
	s8 =	sld [smem:$0x3FB5]  }
0x2e: {  	s3 =	simm.s32 @!p0 $0x1082;
	s9 =	sld [smem:$0x3FB6]  }
0x2f: {  	lr =	sadd.s32 s0, s3;
	s0 =	sld [smem:$0x3FAD]  }
0x30: {  	s3 =	sld [smem:$0x3FB0]  }
0x31: {  	[smem:$0x3FB9] =	sst s10  }
0x32: {  	s10 =	sld [smem:$0x3FB7];
	_ =	sdelay $0x3  }
0x33: {  	p0 =	seq.s32 s10, $0x1;
	s10 =	sld [smem:$0x3FB9];
	_ =	sdelay $0x3  }
0x34: {  	[smem:$0x3FB9] =	sst s10  }
0x35: {  	s10 =	sld [smem:$0x3FB8];
	_ =	sdelay $0x3  }
0x36: {  	p1 =	seq.s32 s10, $0x1;
	s10 =	sld [smem:$0x3FB9];
	_ =	sdelay $0x3  }
0x37: {  	[smem:$0x3FB9] =	sst s10  }
0x38: {  	s10 =	sld [smem:$0x3FBA]  }
0x39: {  	_ = 	snop;
	(pc) =	sbr.ind lr, $3  }
0x3a: {  	_ = 	snop  }
0x3b: {  	_ = 	snop  }
0x3c: {  	p2 =	seq.s32 s10, $0x1;
	s10 =	sld [smem:$0x3FB9]  }
0x3d: {  	_ =	shalt  }
0x3e: {  	_ =	shalt  }
0x3f: {  	_ =	shalt  }
0x40: {  	_ =	shalt  }
0x41: {  	_ =	shalt  }
0x42: {  	_ =	shalt  }
0x43: {  	_ =	shalt  }
0x44: {  	_ =	shalt  }
0x45: {  	_ =	shalt  }
0x46: {  	_ =	shalt  }
0x47: {  	_ =	shalt  }
0x48: {  	_ =	shalt  }
0x49: {  	_ =	shalt  }
0x4a: {  	_ =	shalt  }
0x4b: {  	_ =	shalt  }
0x4c: {  	_ =	shalt  }
0x4d: {  	_ =	shalt  }
0x4e: {  	_ =	shalt  }
0x4f: {  	_ =	shalt  }
0x50: {  	_ =	shalt  }
0x51: {  	_ =	shalt  }
0x52: {  	_ =	shalt  }
0x53: {  	_ =	shalt  }
0x54: {  	_ =	shalt  }
0x55: {  	_ =	shalt  }
0x56: {  	_ =	shalt  }
0x57: {  	_ =	shalt  }
0x58: {  	_ =	shalt  }
0x59: {  	_ =	shalt  }
0x5a: {  	_ =	shalt  }
0x5b: {  	_ =	shalt  }
0x5c: {  	_ =	shalt  }
0x5d: {  	_ =	shalt  }
0x5e: {  	_ =	shalt  }
0x5f: {  	_ =	shalt  }
0x60: {  	_ =	shalt  }
0x61: {  	_ =	shalt  }
0x62: {  	_ =	shalt  }
0x63: {  	_ =	shalt  }
0x64: {  	_ =	shalt  }
0x65: {  	_ =	shalt  }
0x66: {  	_ =	shalt  }
0x67: {  	_ =	shalt  }
0x68: {  	_ =	shalt  }
0x69: {  	_ =	shalt  }
0x6a: {  	_ =	shalt  }
0x6b: {  	_ =	shalt  }
0x6c: {  	_ =	shalt  }
0x6d: {  	_ =	shalt  }
0x6e: {  	_ =	shalt  }
0x6f: {  	_ =	shalt  }
0x70: {  	_ =	shalt  }
0x71: {  	_ =	shalt  }
0x72: {  	_ =	shalt  }
0x73: {  	_ =	shalt  }
0x74: {  	_ =	shalt  }
0x75: {  	_ =	shalt  }
0x76: {  	_ =	shalt  }
0x77: {  	_ =	shalt  }
0x78: {  	_ =	shalt  }
0x79: {  	_ =	shalt  }
0x7a: {  	_ =	shalt  }
0x7b: {  	_ =	shalt  }
0x7c: {  	_ =	shalt  }
0x7d: {  	_ =	shalt  }
0x7e: {  	_ =	shalt  }
0x7f: {  	_ =	shalt  }
0x80: {  	_ =	shalt  }
0x81: {  	_ =	shalt  }
0x82: {  	_ =	shalt  }
0x83: {  	_ =	shalt  }
0x84: {  	_ =	shalt  }
0x85: {  	_ =	shalt  }
0x86: {  	_ =	shalt  }
0x87: {  	_ =	shalt  }
.Lfunc_end0:
.L_simem_size_0:
called_computation.1_lowered:
.L_overlay_start_0:
0x88: {  	s2 =	sld [smem:$0x3FD9]  }
0x89: {  	s3 =	sld [smem:$0x3FFE];
	_ =	sdelay $0x1  }
0x8a: {  	s1 =	srdreg.scid  }
0x8b: {  	s0 =	sand.u32 $0x1, s1  }
0x8c: {  	s17 =	sshll.u32 s0, $0xA;
	s2 =	sadd.s32 s3, s2  }
0x8d: {  	s2 =	sadd.s32 s2, s17  }
0x8e: {  	[smem:$0x3FC5] =	sst s2  }
0x8f: {  	_ = 	snop  }
0x90: {  	s2 =	sld [smem:$0x3FD0];
	(tm) =	ssettm $0x1  }
0x91: {  	s18 =	sld [smem:$0x3FFB];
	_ =	sdelay $0x3  }
0x92: {  	_ =	strace s18  }
0x93: {  	s3 =	sld [smem:$0x3FFC];
	_ =	sdelay $0x3  }
0x94: {  	_ =	strace s3  }
0x95: {  	s3 =	sld [smem:$0x3FFD];
	_ =	sdelay $0x3  }
0x96: {  	_ =	strace s3  }
0x97: {  	_ =	strace $0x8FFFFFFF  }
0x98: {  	s19 =	sld [smem:$0x3FDB];
	_ =	sdelay $0x1  }
0x99: {  	s4 =	simm.s32 $_scs_section_size  }
0x9a: {  	s5 =	simm.s32 $_size__tile_overlayer_lowered;
	s6 =	simm.s32 $_tile_overlayer_lowered  }
0x9b: {  	s22 =	simm.s32 $0x1BFF;
	s21 =	sshll.u32 s6, $0x1;
	s3 =	sadd.s32 s4, s19  }
0x9c: {  	s7 =	simm.s32 $0x0;
	s20 =	sshll.u32 s5, $0x1;
	s5 =	sadd.s32 s21, s3  }
0x9d: {  	[timem:s7], [sflag:s22] =	dma.local [hbm:s5], s20  }
0x9e: {  	_ =	swait.ge [sflag:s22], s20  }
0x9f: {  	s4 =	ssub.s32 $0x0, s20;
	[sflag:s22] =	ssyncset.done $0x0  }
0xa0: {  	[sflag:s22] =	ssyncadd.s32 s4;
	_ =	sdelay $0x1  }
0xa1: {  	s23 =	simm.s32 $0x1B8B  }
0xa2: {  	_ =	swait.ge [sflag:s23], $0x1  }
0xa3: {  	[sflag:s23] =	ssyncset.done $0x0  }
0xa4: {  	s25 =	simm.s32 $0x1B8E;
	s24 =	sld [smem:$0x3FFE];
	[sflag:s23] =	ssyncadd.s32 $0xFFFFFFFF  }
0xa5: {  	s26 =	simm.s32 $execute0_lowered;
	[smem:$0x3FD2] =	sst s25  }
0xa6: {  	s5 =	sshll.u32 s26, $0x1;
	_ =	strace $0x80000046;
	[dreg:$0x1] =	wrdreg $0xFFFFFFFF  }
0xa7: {  	s28 =	simm.s32 $_size_execute0_lowered;
	s3 =	sadd.s32 s3, s5;
	[dreg:$0x0] =	wrdreg $0x0  }
0xa8: {  	s5 =	sshll.u32 s28, $0x1;
	[dreg:$0x2] =	wrdreg s3  }
0xa9: {  	[dreg:$0x3] =	wrdreg s5  }
0xaa: {  	[dreg:$0x4] =	wrdreg $0xC0  }
0xab: {  	_ =	task [dreg:s7], $0x5FFFF  }
0xac: {  	[dreg:$0x1] =	wrdreg $0xFFFFFFFF  }
0xad: {  	[dreg:$0x0] =	wrdreg $0x60  }
0xae: {  	[dreg:$0x2] =	wrdreg s24  }
0xaf: {  	[dreg:$0x3] =	wrdreg s2  }
0xb0: {  	[dreg:$0x4] =	wrdreg $0x1A000  }
0xb1: {  	[dreg:$0x5] =	wrdreg $0x9  }
0xb2: {  	_ =	task.clear_ibuf [dreg:s7], $0x6FFFF;
	_ =	strace $0x90000046  }
0xb3: {  	s29 =	simm.s32 $0x9;
	_ =	strace $0x80000048  }
0xb4: {  	_ =	swait.ge [sflag:s29], $0x1  }
0xb5: {  	[sflag:s29] =	ssyncadd.s32 $0xFFFFFFFF  }
0xb6: {  	_ =	strace $0x90000048  }
0xb7: {  	_ =	sfence  }
0xb8: {  	s30 =	sld [smem:$0x0];
	_ =	sdelay $0x2  }
0xb9: {  	s31 =	sshll.u32 s1, $0xD;
	s1 =	sshrl.u32 s1, $0x2  }
0xba: {  	s3 =	sand.u32 $0x4000, s31;
	s1 =	sadd.s32 s1, s30  }
0xbb: {  	s0 =	sor.u32 s3, s0;
	s1 =	sshll.u32 s1, $0x11  }
0xbc: {  	s0 =	sor.u32 s1, s0  }
0xbd: {  	s0 =	sadd.s32 $0x8F2B, s0  }
0xbe: {  	[sflag:s0] =	ssyncadd.remote.s32 $0x1  }
0xbf: {  	_ =	sfence.sel $0xFFFF  }
0xc0: {  	[dreg:$0x0] =	wrdreg $0xFFFFFFFF;
	(pc) =	sbr.abs _section_cstart, $3  }
0xc1: {  	[dreg:$0x1] =	wrdreg $0xFFFFFFFF  }
0xc2: {  	_ =	task.clear_ibuf [dreg:s7], $0x2FFFF;
	_ =	strace $0x9FFFFFFF  }
0xc3: {  	(tm) =	ssettm $0x7FFFFFFF  }
tec
execute0_lowered:
.L_overlay_start_1:
0x0: {  	(tag) =	ssettag $0x1  }
0x1: {  	s4 =	rddreg [dreg:$0x0]  }
0x2: {  	s7 =	rddreg [dreg:$0x1]  }
0x3: {  	s0 =	srdreg.scid;
	s1 =	rddreg [dreg:$0x2]  }
0x4: {  	s9 =	stileid.u32;
	s2 =	simm.s32 $0x0;
	s24 =	simm.s32 $0x4C00  }
0x5: {  	s25 =	simm.s32 $0x6500;
	s26 =	simm.s32 $0x7E00;
	s28 =	simm.s32 $0x9700  }
0x6: {  	s29 =	simm.s32 $0xB000;
	s8 =	sand.u32 $0x1, s0;
	s0 =	rddreg [dreg:$0x3]  }
0x7: {  	s30 =	simm.s32 $0xC900;
	s31 =	simm.s32 $0xE200;
	[smem:$0x7FF] =	sst s2  }
0x8: {  	s12 =	simm.s32 $0xFB00;
	_ =	strace $0x80000047;
	[dreg:$0x4] =	wrdreg s24  }
0x9: {  	s13 =	simm.s32 $0x12D00;
	s14 =	simm.s32 $0x14600;
	[dreg:$0x5] =	wrdreg s25  }
0xa: {  	s15 =	simm.s32 $0x15F00;
	s16 =	simm.s32 $0x17800;
	[dreg:$0x6] =	wrdreg s26  }
0xb: {  	s17 =	simm.s32 $0x19100;
	s18 =	simm.s32 $0x1AA00;
	[dreg:$0x7] =	wrdreg s28  }
0xc: {  	s19 =	simm.s32 $0x1;
	s20 =	simm.s32 $0x0;
	[dreg:$0x8] =	wrdreg s29  }
0xd: {  	s11 =	smul.u32 $0xC800, s9;
	p0 =	sne.s32 s9, $0x0;
	[dreg:$0x9] =	wrdreg s30  }
0xe: {  	s3 =	sshll.u32 s8, $0x4;
	s6 =	ssub.s32 $0x2, s8;
	[dreg:$0xa] =	wrdreg s31  }
0xf: {  	s8 =	smul.u32 $0xC8000, s8;
	[dreg:$0xb] =	wrdreg s12;
	s12 =	simm.s32 $0x11400  }
0x10: {  	s3 =	sor.u32 s9, s3;
	s10 =	sshrl.u32 s6, $0x1;
	s9 =	simm.s32 $0x2  }
0x11: {  	s5 =	smul.u32 $0x340, s3;
	s3 =	sadd.s32 $0xF43000, s4;
	s6 =	ssub.s32 s6, s10  }
0x12: {  	s7 =	sadd.s32 s8, s7;
	s8 =	sshrl.u32 @!p0 s1, $0x3;
	s10 =	simm.s32 $0x3300  }
0x13: {  	s6 =	smax.u32 s6, $0x1;
	s7 =	sadd.s32 s11, s7;
	s5 =	sadd.s32 s5, s4  }
0x14: {  	s11 =	simm.s32 $0x64;
	s4 =	sadd.s32 $0x7400, s4;
	s5 =	sadd.s32 $0xC00, s5  }
.LBB2_1:
0x15: {  	s21 =	simm.s32 @!p0 $0x1C02  }
0x16: {  	[spmem:s8], [sflag:s21] =	dma.local @!p0 [hbm:s4], $0x3200  }
0x17: {  	s21 =	simm.s32 @!p0 $0x2  }
0x18: {  	_ =	swait.ge @!p0 [sflag:s21], $0x3200  }
0x19: {  	[sflag:s21] =	ssyncset.done @!p0 $0x0  }
0x1a: {  	[sflag:s21] =	ssyncadd.s32 @!p0 $0xFFFFCE00  }
0x1b: {  	[tilespmem:s2], [sflag:$0x2] =	stream.linear.gather [hbm4b:s5+s2], $0x1A00, $0x38;
	[tilespmem:$0x1C300] =	vst v63  }
0x1c: {  	_ =	swait.ge [sflag:s9], $0x1A00  }
0x1d: {  	[sflag:s9] =	ssyncset.done $0x0  }
0x1e: {  	[sflag:s9] =	ssyncadd.s32 $0xFFFFE600  }
0x1f: {  	[bflag:$0x0] =	sbarrier.arrive $0xFFFF  }
0x20: {  	[tilespmem:s10], [sflag:$0x2] =	stream.linear.gather [spmem:s1], $0x19000, $0x38;
	[tilespmem:$0x1C300] =	vst v63  }
0x21: {  	_ =	swait.ge [sflag:s9], $0x19000  }
0x22: {  	[sflag:s9] =	ssyncset.done $0x0  }
0x23: {  	s25 =	simm.s32 $0x0;
	[sflag:s9] =	ssyncadd.s32 $0xFFFE7000  }
0x24: {  	[tilespmem:s10], [sflag:$0x1] =	stream.indirect.gather.add.f32 [hbm:s3], $0x40, s25, s11, $0xb8;
	[tilespmem:$0x1C300] =	vst v63  }
0x25: {  	s26 =	simm.s32 $0x68;
	s22 =	rddreg [dreg:$0x4]  }
0x26: {  	[tilespmem:s22], [sflag:$0x1] =	stream.indirect.gather.add.f32 [hbm:s3], $0x40, s26, s11, $0xb8;
	[tilespmem:$0x1C300] =	vst v63  }
0x27: {  	s28 =	simm.s32 $0xD0;
	s23 =	rddreg [dreg:$0x5]  }
0x28: {  	[tilespmem:s23], [sflag:$0x1] =	stream.indirect.gather.add.f32 [hbm:s3], $0x40, s28, s11, $0xb8;
	[tilespmem:$0x1C300] =	vst v63  }
0x29: {  	s30 =	simm.s32 $0x138;
	s29 =	rddreg [dreg:$0x6]  }
0x2a: {  	[tilespmem:s29], [sflag:$0x1] =	stream.indirect.gather.add.f32 [hbm:s3], $0x40, s30, s11, $0xb8;
	[tilespmem:$0x1C300] =	vst v63  }
0x2b: {  	s31 =	rddreg [dreg:$0x7];
	s22 =	simm.s32 $0x1A0  }
0x2c: {  	[tilespmem:s31], [sflag:$0x1] =	stream.indirect.gather.add.f32 [hbm:s3], $0x40, s22, s11, $0xb8;
	[tilespmem:$0x1C300] =	vst v63  }
0x2d: {  	s24 =	rddreg [dreg:$0x8];
	s25 =	simm.s32 $0x208  }
0x2e: {  	[tilespmem:s24], [sflag:$0x1] =	stream.indirect.gather.add.f32 [hbm:s3], $0x40, s25, s11, $0xb8;
	[tilespmem:$0x1C300] =	vst v63  }
0x2f: {  	s26 =	rddreg [dreg:$0x9];
	s28 =	simm.s32 $0x270  }
0x30: {  	[tilespmem:s26], [sflag:$0x1] =	stream.indirect.gather.add.f32 [hbm:s3], $0x40, s28, s11, $0xb8;
	[tilespmem:$0x1C300] =	vst v63  }
0x31: {  	s29 =	rddreg [dreg:$0xa];
	s30 =	simm.s32 $0x2D8  }
0x32: {  	[tilespmem:s29], [sflag:$0x1] =	stream.indirect.gather.add.f32 [hbm:s3], $0x40, s30, s11, $0xb8;
	[tilespmem:$0x1C300] =	vst v63  }
0x33: {  	s31 =	rddreg [dreg:$0xb];
	s22 =	simm.s32 $0x340  }
0x34: {  	[tilespmem:s31], [sflag:$0x1] =	stream.indirect.gather.add.f32 [hbm:s3], $0x40, s22, s11, $0xb8;
	[tilespmem:$0x1C300] =	vst v63  }
0x35: {  	s24 =	simm.s32 $0x3A8  }
0x36: {  	[tilespmem:s12], [sflag:$0x1] =	stream.indirect.gather.add.f32 [hbm:s3], $0x40, s24, s11, $0xb8;
	[tilespmem:$0x1C300] =	vst v63  }
0x37: {  	s25 =	simm.s32 $0x410  }
0x38: {  	[tilespmem:s13], [sflag:$0x1] =	stream.indirect.gather.add.f32 [hbm:s3], $0x40, s25, s11, $0xb8;
	[tilespmem:$0x1C300] =	vst v63  }
0x39: {  	s26 =	simm.s32 $0x478  }
0x3a: {  	[tilespmem:s14], [sflag:$0x1] =	stream.indirect.gather.add.f32 [hbm:s3], $0x40, s26, s11, $0xb8;
	[tilespmem:$0x1C300] =	vst v63  }
0x3b: {  	s28 =	simm.s32 $0x4E0  }
0x3c: {  	[tilespmem:s15], [sflag:$0x1] =	stream.indirect.gather.add.f32 [hbm:s3], $0x40, s28, s11, $0xb8;
	[tilespmem:$0x1C300] =	vst v63  }
0x3d: {  	s29 =	simm.s32 $0x548  }
0x3e: {  	[tilespmem:s16], [sflag:$0x1] =	stream.indirect.gather.add.f32 [hbm:s3], $0x40, s29, s11, $0xb8;
	[tilespmem:$0x1C300] =	vst v63  }
0x3f: {  	s30 =	simm.s32 $0x5B0  }
0x40: {  	[tilespmem:s17], [sflag:$0x1] =	stream.indirect.gather.add.f32 [hbm:s3], $0x40, s30, s11, $0xb8;
	[tilespmem:$0x1C300] =	vst v63  }
0x41: {  	s31 =	simm.s32 $0x618  }
0x42: {  	[tilespmem:s18], [sflag:$0x1] =	stream.indirect.gather.add.f32 [hbm:s3], $0x40, s31, s11, $0xb8;
	[tilespmem:$0x1C300] =	vst v63  }
0x43: {  	_ =	swait.ge [sflag:s19], $0x1900  }
0x44: {  	[sflag:s19] =	ssyncset.done $0x0  }
0x45: {  	[sflag:s19] =	ssyncadd.s32 $0xFFFFE700  }
0x46: {  	_ =	swait.ge [sflag:s19], $0x1900  }
0x47: {  	[sflag:s19] =	ssyncset.done $0x0  }
0x48: {  	[sflag:s19] =	ssyncadd.s32 $0xFFFFE700  }
0x49: {  	_ =	swait.ge [sflag:s19], $0x1900  }
0x4a: {  	[sflag:s19] =	ssyncset.done $0x0  }
0x4b: {  	[sflag:s19] =	ssyncadd.s32 $0xFFFFE700  }
0x4c: {  	_ =	swait.ge [sflag:s19], $0x1900  }
0x4d: {  	[sflag:s19] =	ssyncset.done $0x0  }
0x4e: {  	[sflag:s19] =	ssyncadd.s32 $0xFFFFE700  }
0x4f: {  	_ =	swait.ge [sflag:s19], $0x1900  }
0x50: {  	[sflag:s19] =	ssyncset.done $0x0  }
0x51: {  	[sflag:s19] =	ssyncadd.s32 $0xFFFFE700  }
0x52: {  	_ =	swait.ge [sflag:s19], $0x1900  }
0x53: {  	[sflag:s19] =	ssyncset.done $0x0  }
0x54: {  	[sflag:s19] =	ssyncadd.s32 $0xFFFFE700  }
0x55: {  	_ =	swait.ge [sflag:s19], $0x1900  }
0x56: {  	[sflag:s19] =	ssyncset.done $0x0  }
0x57: {  	[sflag:s19] =	ssyncadd.s32 $0xFFFFE700  }
0x58: {  	_ =	swait.ge [sflag:s19], $0x1900  }
0x59: {  	[sflag:s19] =	ssyncset.done $0x0  }
0x5a: {  	[sflag:s19] =	ssyncadd.s32 $0xFFFFE700  }
0x5b: {  	_ =	swait.ge [sflag:s19], $0x1900  }
0x5c: {  	[sflag:s19] =	ssyncset.done $0x0  }
0x5d: {  	[sflag:s19] =	ssyncadd.s32 $0xFFFFE700  }
0x5e: {  	_ =	swait.ge [sflag:s19], $0x1900  }
0x5f: {  	[sflag:s19] =	ssyncset.done $0x0  }
0x60: {  	[sflag:s19] =	ssyncadd.s32 $0xFFFFE700  }
0x61: {  	_ =	swait.ge [sflag:s19], $0x1900  }
0x62: {  	[sflag:s19] =	ssyncset.done $0x0  }
0x63: {  	[sflag:s19] =	ssyncadd.s32 $0xFFFFE700  }
0x64: {  	_ =	swait.ge [sflag:s19], $0x1900  }
0x65: {  	[sflag:s19] =	ssyncset.done $0x0  }
0x66: {  	[sflag:s19] =	ssyncadd.s32 $0xFFFFE700  }
0x67: {  	_ =	swait.ge [sflag:s19], $0x1900  }
0x68: {  	[sflag:s19] =	ssyncset.done $0x0  }
0x69: {  	[sflag:s19] =	ssyncadd.s32 $0xFFFFE700  }
0x6a: {  	_ =	swait.ge [sflag:s19], $0x1900  }
0x6b: {  	[sflag:s19] =	ssyncset.done $0x0  }
0x6c: {  	[sflag:s19] =	ssyncadd.s32 $0xFFFFE700  }
0x6d: {  	_ =	swait.ge [sflag:s19], $0x1900  }
0x6e: {  	[sflag:s19] =	ssyncset.done $0x0  }
0x6f: {  	[sflag:s19] =	ssyncadd.s32 $0xFFFFE700  }
0x70: {  	_ =	swait.ge [sflag:s19], $0x1900  }
0x71: {  	[sflag:s19] =	ssyncset.done $0x0  }
0x72: {  	[sflag:s19] =	ssyncadd.s32 $0xFFFFE700  }
0x73: {  	[hbm4b:s7+s2] =	stream.linear.scatter [tilespmem:s10], [sflag:$0x2], $0x19000, $0x38;
	[tilespmem:$0x1C300] =	vst v63  }
0x74: {  	_ =	swait.ge [sflag:s9], $0x19000  }
0x75: {  	s21 =	simm.s32 $0x1A00;
	s22 =	smov.u32 s7;
	[sflag:s9] =	ssyncset.done $0x0  }
.LBB2_2:
0x76: {  	[sflag:s9] =	ssyncadd.s32 $0xFFFE7000  }
0x77: {  	[tilespmem:s10], [sflag:$0x2] =	stream.linear.gather [spmem:s1], $0x19000, $0x38;
	[tilespmem:$0x1C300] =	vst v63  }
0x78: {  	_ =	swait.ge [sflag:s9], $0x19000  }
0x79: {  	s23 =	smov.u32 s21;
	[sflag:s9] =	ssyncset.done $0x0  }
0x7a: {  	s23 =	sshra.s32 s23, $0x2;
	[sflag:s9] =	ssyncadd.s32 $0xFFFE7000  }
0x7b: {  	[tilespmem:s10], [sflag:$0x1] =	stream.indirect.gather.add.f32 [hbm:s3], $0x40, s23, s11, $0xb8;
	[tilespmem:$0x1C300] =	vst v63  }
0x7c: {  	s25 =	sadd.s32 $0x68, s23;
	s24 =	rddreg [dreg:$0x4]  }
0x7d: {  	[tilespmem:s24], [sflag:$0x1] =	stream.indirect.gather.add.f32 [hbm:s3], $0x40, s25, s11, $0xb8;
	[tilespmem:$0x1C300] =	vst v63  }
0x7e: {  	s28 =	sadd.s32 $0xD0, s23;
	s26 =	rddreg [dreg:$0x5]  }
0x7f: {  	[tilespmem:s26], [sflag:$0x1] =	stream.indirect.gather.add.f32 [hbm:s3], $0x40, s28, s11, $0xb8;
	[tilespmem:$0x1C300] =	vst v63  }
0x80: {  	s30 =	sadd.s32 $0x138, s23;
	s29 =	rddreg [dreg:$0x6]  }
0x81: {  	[tilespmem:s29], [sflag:$0x1] =	stream.indirect.gather.add.f32 [hbm:s3], $0x40, s30, s11, $0xb8;
	[tilespmem:$0x1C300] =	vst v63  }
0x82: {  	s31 =	rddreg [dreg:$0x7];
	s28 =	sadd.s32 $0x1A0, s23  }
0x83: {  	[tilespmem:s31], [sflag:$0x1] =	stream.indirect.gather.add.f32 [hbm:s3], $0x40, s28, s11, $0xb8;
	[tilespmem:$0x1C300] =	vst v63  }
0x84: {  	s29 =	rddreg [dreg:$0x8];
	s30 =	sadd.s32 $0x208, s23  }
0x85: {  	[tilespmem:s29], [sflag:$0x1] =	stream.indirect.gather.add.f32 [hbm:s3], $0x40, s30, s11, $0xb8;
	[tilespmem:$0x1C300] =	vst v63  }
0x86: {  	s25 =	sadd.s32 $0x270, s23;
	s31 =	rddreg [dreg:$0x9]  }
0x87: {  	[tilespmem:s31], [sflag:$0x1] =	stream.indirect.gather.add.f32 [hbm:s3], $0x40, s25, s11, $0xb8;
	[tilespmem:$0x1C300] =	vst v63  }
0x88: {  	s28 =	rddreg [dreg:$0xa];
	s29 =	sadd.s32 $0x2D8, s23  }
0x89: {  	[tilespmem:s28], [sflag:$0x1] =	stream.indirect.gather.add.f32 [hbm:s3], $0x40, s29, s11, $0xb8;
	[tilespmem:$0x1C300] =	vst v63  }
0x8a: {  	s30 =	rddreg [dreg:$0xb];
	s31 =	sadd.s32 $0x340, s23  }
0x8b: {  	[tilespmem:s30], [sflag:$0x1] =	stream.indirect.gather.add.f32 [hbm:s3], $0x40, s31, s11, $0xb8;
	[tilespmem:$0x1C300] =	vst v63  }
0x8c: {  	s25 =	sadd.s32 $0x3A8, s23  }
0x8d: {  	[tilespmem:s12], [sflag:$0x1] =	stream.indirect.gather.add.f32 [hbm:s3], $0x40, s25, s11, $0xb8;
	[tilespmem:$0x1C300] =	vst v63  }
0x8e: {  	s26 =	sadd.s32 $0x410, s23  }
0x8f: {  	[tilespmem:s13], [sflag:$0x1] =	stream.indirect.gather.add.f32 [hbm:s3], $0x40, s26, s11, $0xb8;
	[tilespmem:$0x1C300] =	vst v63  }
0x90: {  	s28 =	sadd.s32 $0x478, s23  }
0x91: {  	[tilespmem:s14], [sflag:$0x1] =	stream.indirect.gather.add.f32 [hbm:s3], $0x40, s28, s11, $0xb8;
	[tilespmem:$0x1C300] =	vst v63  }
0x92: {  	s29 =	sadd.s32 $0x4E0, s23  }
0x93: {  	[tilespmem:s15], [sflag:$0x1] =	stream.indirect.gather.add.f32 [hbm:s3], $0x40, s29, s11, $0xb8;
	[tilespmem:$0x1C300] =	vst v63  }
0x94: {  	s30 =	sadd.s32 $0x548, s23  }
0x95: {  	[tilespmem:s16], [sflag:$0x1] =	stream.indirect.gather.add.f32 [hbm:s3], $0x40, s30, s11, $0xb8;
	[tilespmem:$0x1C300] =	vst v63  }
0x96: {  	s31 =	sadd.s32 $0x5B0, s23  }
0x97: {  	[tilespmem:s17], [sflag:$0x1] =	stream.indirect.gather.add.f32 [hbm:s3], $0x40, s31, s11, $0xb8;
	[tilespmem:$0x1C300] =	vst v63  }
0x98: {  	s23 =	sadd.s32 $0x618, s23  }
0x99: {  	[tilespmem:s18], [sflag:$0x1] =	stream.indirect.gather.add.f32 [hbm:s3], $0x40, s23, s11, $0xb8;
	[tilespmem:$0x1C300] =	vst v63  }
0x9a: {  	_ =	swait.ge [sflag:s19], $0x1900  }
0x9b: {  	[sflag:s19] =	ssyncset.done $0x0  }
0x9c: {  	[sflag:s19] =	ssyncadd.s32 $0xFFFFE700  }
0x9d: {  	_ =	swait.ge [sflag:s19], $0x1900  }
0x9e: {  	[sflag:s19] =	ssyncset.done $0x0  }
0x9f: {  	[sflag:s19] =	ssyncadd.s32 $0xFFFFE700  }
0xa0: {  	_ =	swait.ge [sflag:s19], $0x1900  }
0xa1: {  	[sflag:s19] =	ssyncset.done $0x0  }
0xa2: {  	[sflag:s19] =	ssyncadd.s32 $0xFFFFE700  }
0xa3: {  	_ =	swait.ge [sflag:s19], $0x1900  }
0xa4: {  	[sflag:s19] =	ssyncset.done $0x0  }
0xa5: {  	[sflag:s19] =	ssyncadd.s32 $0xFFFFE700  }
0xa6: {  	_ =	swait.ge [sflag:s19], $0x1900  }
0xa7: {  	[sflag:s19] =	ssyncset.done $0x0  }
0xa8: {  	[sflag:s19] =	ssyncadd.s32 $0xFFFFE700  }
0xa9: {  	_ =	swait.ge [sflag:s19], $0x1900  }
0xaa: {  	[sflag:s19] =	ssyncset.done $0x0  }
0xab: {  	[sflag:s19] =	ssyncadd.s32 $0xFFFFE700  }
0xac: {  	_ =	swait.ge [sflag:s19], $0x1900  }
0xad: {  	[sflag:s19] =	ssyncset.done $0x0  }
0xae: {  	[sflag:s19] =	ssyncadd.s32 $0xFFFFE700  }
0xaf: {  	_ =	swait.ge [sflag:s19], $0x1900  }
0xb0: {  	[sflag:s19] =	ssyncset.done $0x0  }
0xb1: {  	[sflag:s19] =	ssyncadd.s32 $0xFFFFE700  }
0xb2: {  	_ =	swait.ge [sflag:s19], $0x1900  }
0xb3: {  	[sflag:s19] =	ssyncset.done $0x0  }
0xb4: {  	[sflag:s19] =	ssyncadd.s32 $0xFFFFE700  }
0xb5: {  	_ =	swait.ge [sflag:s19], $0x1900  }
0xb6: {  	[sflag:s19] =	ssyncset.done $0x0  }
0xb7: {  	[sflag:s19] =	ssyncadd.s32 $0xFFFFE700  }
0xb8: {  	_ =	swait.ge [sflag:s19], $0x1900  }
0xb9: {  	[sflag:s19] =	ssyncset.done $0x0  }
0xba: {  	[sflag:s19] =	ssyncadd.s32 $0xFFFFE700  }
0xbb: {  	_ =	swait.ge [sflag:s19], $0x1900  }
0xbc: {  	[sflag:s19] =	ssyncset.done $0x0  }
0xbd: {  	[sflag:s19] =	ssyncadd.s32 $0xFFFFE700  }
0xbe: {  	_ =	swait.ge [sflag:s19], $0x1900  }
0xbf: {  	[sflag:s19] =	ssyncset.done $0x0  }
0xc0: {  	[sflag:s19] =	ssyncadd.s32 $0xFFFFE700  }
0xc1: {  	_ =	swait.ge [sflag:s19], $0x1900  }
0xc2: {  	[sflag:s19] =	ssyncset.done $0x0  }
0xc3: {  	[sflag:s19] =	ssyncadd.s32 $0xFFFFE700  }
0xc4: {  	_ =	swait.ge [sflag:s19], $0x1900  }
0xc5: {  	[sflag:s19] =	ssyncset.done $0x0  }
0xc6: {  	[sflag:s19] =	ssyncadd.s32 $0xFFFFE700  }
0xc7: {  	p1 =	sne.s32 s21, $0x4E00;
	_ =	swait.ge [sflag:s19], $0x1900  }
.Ltmp0:
0xc8: {  	[sflag:s19] =	ssyncset.done $0x0;
	(pc) =	sbr.rel @p1 .LBB2_2-.Ltmp0, $4  }
0xc9: {  	s22 =	sadd.s32 $0x3200, s22;
	[sflag:s19] =	ssyncadd.s32 $0xFFFFE700  }
0xca: {  	[hbm4b:s22+s2] =	stream.linear.scatter [tilespmem:s10], [sflag:$0x2], $0x19000, $0x38;
	[tilespmem:$0x1C300] =	vst v63  }
0xcb: {  	_ =	swait.ge [sflag:s9], $0x19000  }
0xcc: {  	s21 =	sadd.s32 $0x1A00, s21;
	[sflag:s9] =	ssyncset.done $0x0  }
0xcd: {  	s20 =	sadd.s32 $0x1, s20  }
0xce: {  	p1 =	sne.s32 s20, s6  }
.Ltmp1:
0xcf: {  	_ = 	snop;
	(pc) =	sbr.rel @p1 .LBB2_1-.Ltmp1, $2  }
0xd0: {  	_ =	sdelay $0x2  }
0xd1: {  	[sflag:s9] =	ssyncadd.s32 $0xFFFE7000  }
0xd2: {  	_ =	sfence.sel $0x180000  }
0xd3: {  	[bflag:$0x0] =	sbarrier.arrive $0xFFFF  }
0xd4: {  	_ =	strace $0x90000047  }
0xd5: {  	s0 =	sadd.s32 @!p0 $0x100000, s0;
	[bflag:$0x2] =	sbarrier.arrive $0xFFFF  }
0xd6: {  	[sflag:s0] =	ssyncadd.tile.s32 @!p0 $0x1;
	_ =	shalt  }
.Lfunc_end2:
_tile_overlayer_lowered:
.L_overlay_start_2:
0xd7: {  	(tag) =	ssettag $0x2  }
0xd8: {  	s0 =	rddreg [dreg:$0x0];
	s2 =	stileid.u32  }
0xd9: {  	s1 =	rddreg [dreg:$0x1];
	p0 =	sne.s32 s2, $0x0  }
0xda: {  	s3 =	rddreg [dreg:$0x2];
	[bflag:$0x3] =	sbarrier.arrive $0xFFFF;
	s2 =	simm.s32 @!p0 $0x1C02  }
0xdb: {  	[timem:s3], [sflag:s2] =	dma.local @!p0 [hbm:s0], s1  }
0xdc: {  	s0 =	simm.s32 @!p0 $0x2  }
0xdd: {  	_ =	swait.ge @!p0 [sflag:s0], s1  }
0xde: {  	s1 =	ssub.s32 @!p0 $0x0, s1;
	[sflag:s0] =	ssyncset.done @!p0 $0x0  }
0xdf: {  	[sflag:s0] =	ssyncadd.s32 @!p0 s1  }
0xe0: {  	[bflag:$0x3] =	sbarrier.arrive $0xFFFF  }
0xe1: {  	_ =	shalt  }

// kernel: sparse-core-data-format-call.cloned.1.call-start
scs
called_computation_lowered:
.L_overlay_start_0:
0x0: {  	s2 =	sld [smem:$0x3FD9]  }
0x1: {  	s3 =	sld [smem:$0x3FFE];
	_ =	sdelay $0x1  }
0x2: {  	s1 =	srdreg.scid  }
0x3: {  	s0 =	sand.u32 $0x1, s1  }
0x4: {  	s18 =	sshll.u32 s0, $0xA;
	s2 =	sadd.s32 s3, s2  }
0x5: {  	s2 =	sadd.s32 s2, s18  }
0x6: {  	[smem:$0x3FC5] =	sst s2  }
0x7: {  	_ = 	snop  }
0x8: {  	s2 =	sld [smem:$0x3FD0];
	(tm) =	ssettm $0x1  }
0x9: {  	s19 =	sld [smem:$0x3FFB];
	_ =	sdelay $0x3  }
0xa: {  	_ =	strace s19  }
0xb: {  	s3 =	sld [smem:$0x3FFC];
	_ =	sdelay $0x3  }
0xc: {  	_ =	strace s3  }
0xd: {  	s3 =	sld [smem:$0x3FFD];
	_ =	sdelay $0x3  }
0xe: {  	_ =	strace s3  }
0xf: {  	_ =	strace $0x8FFFFFFF  }
0x10: {  	s20 =	sld [smem:$0x3FDB];
	_ =	sdelay $0x1  }
0x11: {  	s4 =	simm.s32 $_scs_section_size  }
0x12: {  	s5 =	simm.s32 $_size__tile_overlayer_lowered;
	s6 =	simm.s32 $_tile_overlayer_lowered  }
0x13: {  	s23 =	simm.s32 $0x1BFF;
	s22 =	sshll.u32 s6, $0x1;
	s3 =	sadd.s32 s4, s20  }
0x14: {  	s7 =	simm.s32 $0x0;
	s21 =	sshll.u32 s5, $0x1;
	s5 =	sadd.s32 s22, s3  }
0x15: {  	[timem:s7], [sflag:s23] =	dma.local [hbm:s5], s21  }
0x16: {  	_ =	swait.ge [sflag:s23], s21  }
0x17: {  	s4 =	ssub.s32 $0x0, s21;
	[sflag:s23] =	ssyncset.done $0x0  }
0x18: {  	[sflag:s23] =	ssyncadd.s32 s4;
	_ =	sdelay $0x1  }
0x19: {  	s24 =	simm.s32 $0x1B8B  }
0x1a: {  	_ =	swait.ge [sflag:s24], $0x1  }
0x1b: {  	[sflag:s24] =	ssyncset.done $0x0  }
0x1c: {  	s26 =	simm.s32 $0x1B8E;
	s25 =	sld [smem:$0x3FFE];
	[sflag:s24] =	ssyncadd.s32 $0xFFFFFFFF  }
0x1d: {  	s27 =	simm.s32 $execute0_lowered;
	[smem:$0x3FD2] =	sst s26  }
0x1e: {  	s5 =	sshll.u32 s27, $0x1;
	_ =	strace $0x80000049;
	[dreg:$0x1] =	wrdreg $0xFFFFFFFF  }
0x1f: {  	s28 =	simm.s32 $_size_execute0_lowered;
	s3 =	sadd.s32 s3, s5;
	[dreg:$0x0] =	wrdreg $0x0  }
0x20: {  	s5 =	sshll.u32 s28, $0x1;
	[dreg:$0x2] =	wrdreg s3  }
0x21: {  	[dreg:$0x3] =	wrdreg s5  }
0x22: {  	[dreg:$0x4] =	wrdreg $0xC0  }
0x23: {  	_ =	task [dreg:s7], $0x5FFFF  }
0x24: {  	[dreg:$0x1] =	wrdreg $0xFFFFFFFF  }
0x25: {  	[dreg:$0x0] =	wrdreg $0x60  }
0x26: {  	[dreg:$0x2] =	wrdreg s25  }
0x27: {  	[dreg:$0x3] =	wrdreg s2  }
0x28: {  	[dreg:$0x4] =	wrdreg $0x9  }
0x29: {  	_ =	task.clear_ibuf [dreg:s7], $0x5FFFF;
	_ =	strace $0x90000049  }
0x2a: {  	s29 =	simm.s32 $0x9;
	_ =	strace $0x8000004B  }
0x2b: {  	_ =	swait.ge [sflag:s29], $0x1  }
0x2c: {  	[sflag:s29] =	ssyncadd.s32 $0xFFFFFFFF  }
0x2d: {  	_ =	strace $0x9000004B  }
0x2e: {  	_ =	sfence  }
0x2f: {  	s30 =	sld [smem:$0x0];
	_ =	sdelay $0x2  }
0x30: {  	s31 =	sshll.u32 s1, $0xD;
	s1 =	sshrl.u32 s1, $0x2  }
0x31: {  	s3 =	sand.u32 $0x4000, s31;
	s1 =	sadd.s32 s1, s30  }
0x32: {  	s0 =	sor.u32 s3, s0;
	s1 =	sshll.u32 s1, $0x11  }
0x33: {  	s0 =	sor.u32 s1, s0  }
0x34: {  	s0 =	sadd.s32 $0x8F2B, s0  }
0x35: {  	[sflag:s0] =	ssyncadd.remote.s32 $0x1  }
0x36: {  	_ =	sfence.sel $0xFFFF  }
0x37: {  	[dreg:$0x0] =	wrdreg $0xFFFFFFFF;
	(pc) =	sbr.abs _section_cstart, $3  }
0x38: {  	[dreg:$0x1] =	wrdreg $0xFFFFFFFF  }
0x39: {  	_ =	task.clear_ibuf [dreg:s7], $0x2FFFF;
	_ =	strace $0x9FFFFFFF  }
0x3a: {  	(tm) =	ssettm $0x7FFFFFFF  }
0x3b: {  	_ =	shalt  }
tec
execute0_lowered:
.L_overlay_start_1:
0x0: {  	(tag) =	ssettag $0x1  }
0x1: {  	s0 =	srdreg.scid  }
0x2: {  	s1 =	sshll.u32 s0, $0x4  }
0x3: {  	s4 =	rddreg [dreg:$0x0];
	s0 =	stileid.u32;
	s1 =	sand.u32 $0x10, s1  }
0x4: {  	s2 =	rddreg [dreg:$0x1];
	s7 =	simm.s32 $0x1;
	s1 =	sor.u32 s0, s1  }
0x5: {  	s8 =	simm.s32 $0x2;
	s11 =	simm.s32 $0x0;
	s3 =	sshll.u32 s1, $0x7  }
0x6: {  	s10 =	simm.s32 $0x0;
	s4 =	sadd.s32 $0xC00, s4;
	s6 =	ssub.s32 $0x32000, s3  }
.Ltmp0:
0x7: {  	s1 =	rddreg [dreg:$0x2];
	s5 =	sand.u32 $0xF80, s6;
	(pc) =	sbr.rel .LBB1_1-.Ltmp0, $4  }
0x8: {  	_ =	strace $0x8000004A;
	s9 =	smov.u32 s3;
	p0 =	sne.s32 s5, $0x0  }
0x9: {  	s6 =	sshrl.u32 s6, $0xC;
	s5 =	simm.s32 $0x1;
	s7 =	simm.s32 @!p0 $0x0  }
0xa: {  	[sflag:s5] =	ssyncpa.u1 $0x0;
	p0 =	por $0x0, $0x0;
	s6 =	sadd.s32 s7, s6  }
0xb: {  	[sflag:s8] =	ssyncpa.u1 $0x0;
	s8 =	simm.s32 $0x190000;
	s7 =	sadd.s32 $0x1, s6  }
.LBB1_4:
0xc: {  	s14 =	sshll.u32 s11, $0x3  }
0xd: {  	s30 =	sand.u32 $0x7F, s11;
	s15 =	sand.u32 $0xFFFFFC00, s14  }
0xe: {  	s11 =	sor.u32 s30, s15  }
0xf: {  	s15 =	smulhi.u32 $0x51EB851F, s11  }
0x10: {  	s14 =	smulhi.u32 $0x51EB851F, s14  }
0x11: {  	s15 =	sshrl.u32 s15, $0x10  }
0x12: {  	s14 =	sshrl.u32 s14, $0x10;
	s15 =	smul.u32 $0x32000, s15  }
0x13: {  	s14 =	sand.u32 $0x3F, s14  }
0x14: {  	s14 =	smul.u32 $0x6400, s14;
	s11 =	ssub.s32 s11, s15  }
0x15: {  	[tilespmem:s13+$0x810 ss:$0x81] =	vst.msk $0xffff, v2;
	s15 =	sand.u32 $0x7, s11  }
0x16: {  	[tilespmem:s13+$0x1020 ss:$0x81] =	vst.msk $0xffff, v0;
	s14 =	sadd.s32 s2, s14;
	s11 =	sshrl.u32 s11, $0x3;
	s15 =	sshll.u32 s15, $0x12  }
0x17: {  	[tilespmem:s13+$0x0 ss:$0x81] =	vst.msk $0xffff, v1;
	s11 =	sadd.s32 s11, s14;
	s31 =	sor.u32 $0x400, s15  }
0x18: {  	[hbm4b:s11+s31] =	stream.strided.scatter [tilespmem:s12], [sflag:$0x2], $0x2000, s8, s31, $0x20;
	[tilespmem:$0x8080] =	vst v63  }
.LBB1_5:
0x19: {  	s13 =	sadd.s32 $0x1000, s9  }
0x1a: {  	p2 =	sgt.s32 s13, $0x31FFF  }
0x1b: {  	s13 =	smov.u32 @p2 s3;
	p2 =	sne.s32 s10, s7  }
.Ltmp1:
0x1c: {  	p1 =	slt.u32 s10, $0x2;
	(pc) =	sbr.rel @!p2 .LBB1_6-.Ltmp1, $4  }
0x1d: {  	s12 =	simm.s32 @!p1 $0x2  }
0x1e: {  	s14 =	sadd.s32 $0x1, s10;
	_ =	swait.ge @!p1 [sflag:s12], $0x2000  }
0x1f: {  	s11 =	smov.u32 s9;
	p0 =	por !p0, !p0;
	[sflag:s12] =	ssyncset.done @!p1 $0x0  }
0x20: {  	s10 =	smov.u32 s14;
	s9 =	smov.u32 s13;
	[sflag:s12] =	ssyncadd.s32 @!p1 $0xFFFFE000  }
.LBB1_1:
0x21: {  	p1 =	sge.u32 s10, s6  }
0x22: {  	s12 =	sand.u32 @!p1 $0x1FFFFFF, s9  }
0x23: {  	s13 =	smulhi.u32 @!p1 $0x147AE15, s12;
	_ =	sdelay $0x1  }
0x24: {  	s13 =	sshrl.u32 @!p1 s13, $0xA  }
0x25: {  	s13 =	smul.u32 @!p1 $0x32000, s13;
	_ =	sdelay $0x1  }
0x26: {  	s31 =	sadd.s32 $0xFFFFFFFF, s10;
	s14 =	sxor.u32 @!p1 $0xFFFFFFFF, s10;
	s12 =	ssub.s32 @!p1 s12, s13  }
0x27: {  	s15 =	simm.s32 @!p1 $0x80;
	s14 =	sshll.u32 @!p1 s14, $0xD;
	s12 =	sshll.u32 @!p1 s12, $0x4  }
0x28: {  	s13 =	sand.u32 @!p1 $0x2000, s14;
	s14 =	simm.s32 @!p1 $0x40;
	s12 =	sadd.s32 @!p1 s4, s12  }
0x29: {  	[tilespmem:s13], [sflag:$0x1] =	stream.strided.gather @!p1 [hbm4b:s12+s14], $0x2000, s15, s14, $0x38;
	[tilespmem:$0x8080] =	vst v63  }
0x2a: {  	p1 =	sge.u32 s31, s6  }
.Ltmp2:
0x2b: {  	_ = 	snop;
	(pc) =	sbr.rel @p1 .LBB1_5-.Ltmp2, $1  }
0x2c: {  	_ =	sdelay $0x3  }
0x2d: {  	s12 =	simm.s32 $0x1  }
0x2e: {  	_ =	swait.ge [sflag:s5], $0x2000;
	s12 =	simm.s32 @!p0 $0x0  }
0x2f: {  	[sflag:s5] =	ssyncset.done $0x0;
	s13 =	sshll.u32 s12, $0xD  }
0x30: {  	[sflag:s5] =	ssyncadd.s32 $0xFFFFE000;
	s16 =	sor.u32 $0x20, s13  }
0x31: {  	s12 =	smul.u32 $0x8100, s12;
	v3 =	vld [tilespmem:s16+$0x10]  }
0x32: {  	s30 =	sand.u32 $0x1, s10;
	v2 =	vld [tilespmem:s16+$0xFFFFFFF0]  }
0x33: {  	s13 =	smul.u32 $0x8100, s30;
	s12 =	sshrl.u32 s12, $0x2;
	v0 =	vld [tilespmem:s16+$0x0]  }
0x34: {  	v1 =	vld [tilespmem:s16+$0xFFFFFFE0];
	s14 =	sor.u32 $0x4000, s12  }
0x35: {  	s31 =	sshrl.u32 s13, $0x2;
	s13 =	sadd.s32 $0x0, s14  }
0x36: {  	s15 =	simm.s32 $0x4;
	s16 =	sadd.s32 $0x40, s16;
	s12 =	sor.u32 $0x4000, s31;
	[tilespmem:s13+$0x1830 ss:$0x81] =	vst.msk $0xffff, v3  }
.LBB1_3:
0x37: {  	v3 =	vld [tilespmem:s16+$0x10];
	p1 =	sne.s32 s15, $0x1FC;
	[tilespmem:s13+$0x810 ss:$0x81] =	vst.msk $0xffff, v2;
	s17 =	smov.u32 s15;
	s15 =	sadd.s32 $0x4, s15  }
.Ltmp3:
0x38: {  	v2 =	vld [tilespmem:s16+$0xFFFFFFF0];
	[tilespmem:s13+$0x1020 ss:$0x81] =	vst.msk $0xffff, v0;
	(pc) =	sbr.rel @p1 .LBB1_3-.Ltmp3, $4  }
0x39: {  	v0 =	vld [tilespmem:s16+$0x0];
	[tilespmem:s13+$0x0 ss:$0x81] =	vst.msk $0xffff, v1  }
0x3a: {  	s13 =	sshra.s32 s17, $0x2;
	v1 =	vld [tilespmem:s16+$0xFFFFFFE0]  }
0x3b: {  	s13 =	sadd.s32 s13, s14  }
0x3c: {  	s16 =	sadd.s32 $0x40, s16;
	[tilespmem:s13+$0x1830 ss:$0x81] =	vst.msk $0xffff, v3  }
.Ltmp4:
0x3d: {  	_ = 	snop;
	(pc) =	sbr.rel .LBB1_4-.Ltmp4, $1  }
0x3e: {  	_ =	sdelay $0x3  }
.LBB1_6:
0x3f: {  	_ =	sfence.sel $0x180000  }
0x40: {  	s2 =	simm.s32 $0x1;
	[bflag:$0x0] =	sbarrier.arrive $0xFFFF  }
0x41: {  	s31 =	simm.s32 $0x2;
	[sflag:s2] =	ssyncpa.u1 $0x1  }
0x42: {  	[sflag:s31] =	ssyncpa.u1 $0x1  }
0x43: {  	p0 =	sne.s32 s0, $0x0;
	_ =	strace $0x9000004A  }
0x44: {  	s0 =	sadd.s32 @!p0 $0x100000, s1;
	[bflag:$0x2] =	sbarrier.arrive $0xFFFF  }
0x45: {  	[sflag:s0] =	ssyncadd.tile.s32 @!p0 $0x1;
	_ =	shalt  }
.Lfunc_end1:
_tile_overlayer_lowered:
.L_overlay_start_2:
0x46: {  	(tag) =	ssettag $0x2  }
0x47: {  	s0 =	rddreg [dreg:$0x0];
	s2 =	stileid.u32  }
0x48: {  	s1 =	rddreg [dreg:$0x1];
	p0 =	sne.s32 s2, $0x0  }
0x49: {  	s3 =	rddreg [dreg:$0x2];
	[bflag:$0x3] =	sbarrier.arrive $0xFFFF;
	s2 =	simm.s32 @!p0 $0x1C01  }
0x4a: {  	[timem:s3], [sflag:s2] =	dma.local @!p0 [hbm:s0], s1  }
0x4b: {  	s0 =	simm.s32 @!p0 $0x1  }
0x4c: {  	_ =	swait.ge @!p0 [sflag:s0], s1  }
0x4d: {  	s1 =	ssub.s32 @!p0 $0x0, s1;
	[sflag:s0] =	ssyncset.done @!p0 $0x0  }
0x4e: {  	[sflag:s0] =	ssyncadd.s32 @!p0 s1  }
0x4f: {  	[bflag:$0x3] =	sbarrier.arrive $0xFFFF  }
0x50: {  	_ =	shalt  }

</sc_bundles>
